<compile_context>
chip_gen: v7x
topology: tpu7x:2x2x1
jax: 0.10.2.dev20260603
libtpu: 0.0.44.dev20260713+nightly
codegen_flags: <defaults>
</compile_context>

<pallas_src>
import jax
import jax.numpy as jnp
from jax import lax
from jax.experimental import pallas as pl
from jax.experimental.pallas import tpu as pltpu
from jax.experimental.pallas import tpu_sc as plsc

N_NODES = 10000
D = 128
E = 320000
N_LAYERS = 3

NC = 2
NS = 16
HALF = D // NC
RPT = 640
N_PAD = NS * RPT
C = 128
G = 8
NBUF = 4
EPS = E // NS
NSUPER = -(-EPS // (G * C))
EPS_PAD = NSUPER * G * C
LANES = 16
RC = 128


def _sc_body(ego0_h, col_h, row_h, val_h, out_h,
             col2, row2, val2, gbufs, sbufs, ego_sp, acc,
             stage_sem, gsems, ssems):
    c = lax.axis_index("c")
    s = lax.axis_index("s")
    base = s * RPT
    zero16f = jnp.zeros((LANES,), jnp.float32)
    tmp, tmp2 = sbufs[0], sbufs[1]
    tmp_bf, tmp_bf2 = gbufs[0], gbufs[1]

    def _pack_row(dst_bf, r, vecs):
        for h in range(HALF // (2 * LANES)):
            p = plsc.pack(vecs[2 * h], vecs[2 * h + 1],
                          format=plsc.PackFormat.INTERLEAVED)
            dst_bf[r, pl.ds(h * 2 * LANES, 2 * LANES)] = p

    def _unpack_row(src_bf, r):
        vecs = []
        for h in range(HALF // (2 * LANES)):
            ab = src_bf[r, pl.ds(h * 2 * LANES, 2 * LANES)]
            a, b2 = plsc.unpack(ab, format=plsc.PackFormat.INTERLEAVED)
            vecs += [a, b2]
        return vecs

    def _zero_tmp2(r, carry):
        for d in range(HALF // LANES):
            tmp2[r, pl.ds(d * LANES, LANES)] = zero16f
        return carry

    lax.fori_loop(0, RC, _zero_tmp2, 0)

    def _init(q, carry):
        rb = base + q * RC
        pltpu.sync_copy(ego0_h.at[pl.ds(c * N_PAD + rb, RC)], tmp)

        def _to_bf(r, carry2):
            vecs = [tmp[r, pl.ds(d * LANES, LANES)]
                    for d in range(HALF // LANES)]
            _pack_row(tmp_bf, r, vecs)
            return carry2

        lax.fori_loop(0, RC, _to_bf, 0)
        pltpu.sync_copy(tmp_bf, ego_sp.at[pl.ds(rb, RC)])
        pltpu.sync_copy(tmp2, acc.at[pl.ds(rb, RC)])
        return carry

    lax.fori_loop(0, RPT // RC, _init, 0)
    plsc.subcore_barrier()

    def _layer(k, carry):
        def _super(jsc, carry2):
            a1 = pltpu.async_copy(col_h.at[s, jsc], col2, stage_sem)
            a2 = pltpu.async_copy(row_h.at[s, jsc], row2, stage_sem)
            a3 = pltpu.async_copy(val_h.at[s, jsc], val2, stage_sem)
            a1.wait(); a2.wait(); a3.wait()

            gd = [None] * NBUF
            sd = [None] * NBUF
            gd[0] = pltpu.async_copy(ego_sp.at[col2.at[0]], gbufs[0],
                                     gsems[0])
            gd[1] = pltpu.async_copy(ego_sp.at[col2.at[1]], gbufs[1],
                                     gsems[1])
            for g in range(G):
                b = g % NBUF
                if g + 2 < G:
                    nb = (g + 2) % NBUF
                    if sd[nb] is not None:
                        sd[nb].wait()
                        sd[nb] = None
                    gd[nb] = pltpu.async_copy(ego_sp.at[col2.at[g + 2]],
                                              gbufs[nb], gsems[nb])
                gd[b].wait()

                sd[b] = pltpu.async_copy(sbufs[b], acc.at[row2.at[g]],
                                         ssems[b], add=True)
            for b in range(NBUF):
                if sd[b] is not None:
                    sd[b].wait()
            return carry2

        lax.fori_loop(0, NSUPER, _super, 0)
        plsc.subcore_barrier()

        def _readout(q, carry2):
            rb = base + q * RC
            pltpu.sync_copy(acc.at[pl.ds(rb, RC)], tmp)

            @pl.when(k == 0)
            def _():
                @plsc.parallel_loop(0, RC, unroll=2)
                def _copy_bf(r):
                    vecs = [tmp[r, pl.ds(d * LANES, LANES)]
                            for d in range(HALF // LANES)]
                    _pack_row(tmp_bf, r, vecs)

                pltpu.sync_copy(tmp_bf, ego_sp.at[pl.ds(rb, RC)])

            @pl.when(k == 1)
            def _():
                pltpu.sync_copy(ego_sp.at[pl.ds(rb, RC)], tmp_bf2)

                @plsc.parallel_loop(0, RC, unroll=2)
                def _diff(r):
                    old = _unpack_row(tmp_bf2, r)
                    vecs = []
                    for d in range(HALF // LANES):
                        sl = pl.ds(d * LANES, LANES)
                        vecs.append(tmp[r, sl] - old[d])
                    _pack_row(tmp_bf, r, vecs)

                pltpu.sync_copy(tmp_bf, ego_sp.at[pl.ds(rb, RC)])

            @pl.when(k == N_LAYERS - 1)
            def _():
                inv = jnp.float32(1.0 / N_LAYERS)

                @plsc.parallel_loop(0, RC, unroll=2)
                def _mean(r):
                    for d in range(HALF // LANES):
                        sl = pl.ds(d * LANES, LANES)
                        tmp[r, sl] = tmp[r, sl] * inv

                pltpu.sync_copy(tmp, out_h.at[c, pl.ds(rb, RC)])
            return carry2

        lax.fori_loop(0, RPT // RC, _readout, 0)
        plsc.subcore_barrier()
        return carry

    lax.fori_loop(0, N_LAYERS, _layer, 0)


@jax.jit
def _run(ego0, col, row, val):
    mesh = plsc.VectorSubcoreMesh(core_axis_name="c", subcore_axis_name="s",
                                  num_cores=NC, num_subcores=NS)
    f = pl.kernel(
        _sc_body,
        out_type=jax.ShapeDtypeStruct((NC, N_PAD, HALF), jnp.float32),
        mesh=mesh,
        compiler_params=pltpu.CompilerParams(use_tc_tiling_on_sc=False,
                                             needs_layout_passes=False),
        scratch_types=[
            pltpu.VMEM((G, C), jnp.int32),
            pltpu.VMEM((G, C), jnp.int32),
            pltpu.VMEM((G, C), jnp.float32),
            [pltpu.VMEM((C, HALF), jnp.bfloat16) for _ in range(NBUF)],
            [pltpu.VMEM((C, HALF), jnp.float32) for _ in range(NBUF)],
            pltpu.VMEM_SHARED((N_PAD, HALF), jnp.bfloat16),
            pltpu.VMEM_SHARED((N_PAD, HALF), jnp.float32),
            pltpu.SemaphoreType.DMA,
            [pltpu.SemaphoreType.DMA for _ in range(NBUF)],
            [pltpu.SemaphoreType.DMA for _ in range(NBUF)],
        ],
    )
    return f(ego0, col, row, val)


def kernel(user_emb, item_emb, edge_vals, edge_index):
    ego0 = jnp.concatenate([user_emb, item_emb], axis=0)
    ego0 = jnp.pad(ego0, ((0, N_PAD - N_NODES), (0, 0)))
    ego0 = ego0.reshape(N_PAD, NC, HALF).transpose(1, 0, 2).reshape(NC * N_PAD, HALF)

    pad = NS * EPS_PAD - E
    col = jnp.pad(edge_index[1], (0, pad)).reshape(NS, NSUPER, G, C)
    row = jnp.pad(edge_index[0], (0, pad)).reshape(NS, NSUPER, G, C)
    val = jnp.pad(edge_vals, (0, pad)).reshape(NS, NSUPER, G, C)

    out = _run(ego0, col, row, val)
    final = out[:, :N_NODES, :].transpose(1, 0, 2).reshape(N_NODES, D)
    return (final[:N_NODES // 2], final[N_NODES // 2:])

# --- scband reference (transcript-rebuilt; emitter-appended) ---
"""Pipeline reference for scband-dim-xsim-cl-encoder-27676769255725 (READ-ONLY COPY).

The authoritative reference and input builder live on the scoring server;
editing this copy changes nothing except your own understanding.
"""

import jax, jax.numpy as jnp
import numpy as np

USER_NUM = 5000
ITEM_NUM = 5000
N = USER_NUM + ITEM_NUM
E = 320000
D = 128
N_LAYERS = 3
LAYER_CL = 1


def setup_inputs(seed: int = 0) -> dict:
    key = jax.random.key(seed)
    k1, k2, k3, k4 = jax.random.split(key, 4)
    user_emb = jax.random.normal(k1, (USER_NUM, D), dtype=jnp.float32) * 0.1
    item_emb = jax.random.normal(k2, (ITEM_NUM, D), dtype=jnp.float32) * 0.1
    edge_index = jax.random.randint(k3, (2, E), 0, N, dtype=jnp.int32)
    # values of the normalized adjacency; scale ~1/avg_degree to keep propagation stable
    edge_vals = jax.random.uniform(k4, (E,), dtype=jnp.float32) / 32.0
    return {"user_emb": user_emb, "item_emb": item_emb, "edge_vals": edge_vals, "edge_index": edge_index}


def reference(user_emb, item_emb, edge_vals, edge_index):
    # DimXsimCL_Encoder.forward with perturbed=False (LightGCN-style propagation)
    row = edge_index[0]
    col = edge_index[1]
    ego = jnp.concatenate([user_emb, item_emb], axis=0)
    all_embeddings = []
    all_embeddings_cl = ego
    for k in range(N_LAYERS):
        # torch.sparse.mm(sparse_norm_adj, ego): gather src rows, weight, scatter-add to dst
        msgs = edge_vals[:, None] * ego[col]
        ego = jax.ops.segment_sum(msgs, row, num_segments=N)
        all_embeddings.append(ego)
        if k == LAYER_CL - 1:
            all_embeddings_cl = ego
    final_embeddings = jnp.mean(jnp.stack(all_embeddings, axis=1), axis=1)
    user_all_embeddings = final_embeddings[:USER_NUM]
    item_all_embeddings = final_embeddings[USER_NUM:]
    return (user_all_embeddings, item_all_embeddings)

if __name__ == "__main__":
    import jax
    _d = setup_inputs()
    print(jax.jit(kernel)(*tuple(_d.values())))

</pallas_src>

<mosaic_0001>
#map = affine_map<(d0, d1) -> (0, 0)>
#map1 = affine_map<(d0, d1) -> (0, 0, 0, 0)>
#map2 = affine_map<(d0, d1) -> (0, 0, 0)>
module attributes {stable_mosaic.version = 14 : i64} {
  func.func @_sc_body(%arg0: i32, %arg1: i32, %arg2: memref<20480x64xf32, #tpu.memory_space<hbm>>, %arg3: memref<16x20x8x128xi32, #tpu.memory_space<hbm>>, %arg4: memref<16x20x8x128xi32, #tpu.memory_space<hbm>>, %arg5: memref<16x20x8x128xf32, #tpu.memory_space<hbm>>, %arg6: memref<2x10240x64xf32, #tpu.memory_space<hbm>>, %arg7: memref<8x128xi32, #tpu.memory_space<vmem>>, %arg8: memref<8x128xi32, #tpu.memory_space<vmem>>, %arg9: memref<8x128xf32, #tpu.memory_space<vmem>>, %arg10: memref<128x64xbf16, #tpu.memory_space<vmem>>, %arg11: memref<128x64xbf16, #tpu.memory_space<vmem>>, %arg12: memref<128x64xbf16, #tpu.memory_space<vmem>>, %arg13: memref<128x64xbf16, #tpu.memory_space<vmem>>, %arg14: memref<128x64xf32, #tpu.memory_space<vmem>>, %arg15: memref<128x64xf32, #tpu.memory_space<vmem>>, %arg16: memref<128x64xf32, #tpu.memory_space<vmem>>, %arg17: memref<128x64xf32, #tpu.memory_space<vmem>>, %arg18: memref<10240x64xbf16, #tpu.memory_space<vmem_shared>>, %arg19: memref<10240x64xf32, #tpu.memory_space<vmem_shared>>, %arg20: memref<!tpu.dma_semaphore, #tpu.memory_space<semaphore_mem>>, %arg21: memref<!tpu.dma_semaphore, #tpu.memory_space<semaphore_mem>>, %arg22: memref<!tpu.dma_semaphore, #tpu.memory_space<semaphore_mem>>, %arg23: memref<!tpu.dma_semaphore, #tpu.memory_space<semaphore_mem>>, %arg24: memref<!tpu.dma_semaphore, #tpu.memory_space<semaphore_mem>>, %arg25: memref<!tpu.dma_semaphore, #tpu.memory_space<semaphore_mem>>, %arg26: memref<!tpu.dma_semaphore, #tpu.memory_space<semaphore_mem>>, %arg27: memref<!tpu.dma_semaphore, #tpu.memory_space<semaphore_mem>>, %arg28: memref<!tpu.dma_semaphore, #tpu.memory_space<semaphore_mem>>) attributes {dimension_semantics = [#tpu.dimension_semantics<core_parallel>, #tpu.dimension_semantics<subcore_parallel>], iteration_bounds = array<i64: 2, 16>, scalar_prefetch = 0 : i64, scratch_operands = 22 : i64, tpu.core_type = #tpu.core_type<sc_vector_subcore>, window_params = [{transform_indices = #map}, {transform_indices = #map1}, {transform_indices = #map1}, {transform_indices = #map1}, {transform_indices = #map2}]} {
    %mul3A = arith.constant 640 : i32
    %mul3A_0 = arith.muli %arg1, %mul3A : i32
    %broadcast_in_dim3A = arith.constant 0.000000e+00 : f32
    %broadcast_in_dim3A_1 = vector.broadcast %broadcast_in_dim3A : f32 to vector<16xf32>
    %scan3A = arith.constant 0 : i32
    %scan3A_2 = arith.constant 0 : i32
    %scan3A_3 = arith.constant 128 : i32
    %scan3A_4 = arith.addi %scan3A_2, %scan3A_3 : i32
    %scan3A_5 = arith.constant 1 : i32
    scf.for %scan3A_19 = %scan3A_2 to %scan3A_4 step %scan3A_5  : i32 {
      %swap3A = arith.index_cast %scan3A_19 : i32 to index
      %swap3A_20 = arith.constant 0 : index
      %swap3A_21 = tpu.vector_load %arg15[%swap3A, %swap3A_20] {strides = array<i32>} : memref<128x64xf32, #tpu.memory_space<vmem>>, vector<16xf32>,
      tpu.vector_store %arg15[%swap3A, %swap3A_20], %broadcast_in_dim3A_1 {strides = array<i32>} : memref<128x64xf32, #tpu.memory_space<vmem>>, vector<16xf32>,
      %swap3A_22 = arith.index_cast %scan3A_19 : i32 to index
      %swap3A_23 = arith.constant 16 : index
      %swap3A_24 = tpu.vector_load %arg15[%swap3A_22, %swap3A_23] {strides = array<i32>} : memref<128x64xf32, #tpu.memory_space<vmem>>, vector<16xf32>,
      tpu.vector_store %arg15[%swap3A_22, %swap3A_23], %broadcast_in_dim3A_1 {strides = array<i32>} : memref<128x64xf32, #tpu.memory_space<vmem>>, vector<16xf32>,
      %swap3A_25 = arith.index_cast %scan3A_19 : i32 to index
      %swap3A_26 = arith.constant 32 : index
      %swap3A_27 = tpu.vector_load %arg15[%swap3A_25, %swap3A_26] {strides = array<i32>} : memref<128x64xf32, #tpu.memory_space<vmem>>, vector<16xf32>,
      tpu.vector_store %arg15[%swap3A_25, %swap3A_26], %broadcast_in_dim3A_1 {strides = array<i32>} : memref<128x64xf32, #tpu.memory_space<vmem>>, vector<16xf32>,
      %swap3A_28 = arith.index_cast %scan3A_19 : i32 to index
      %swap3A_29 = arith.constant 48 : index
      %swap3A_30 = tpu.vector_load %arg15[%swap3A_28, %swap3A_29] {strides = array<i32>} : memref<128x64xf32, #tpu.memory_space<vmem>>, vector<16xf32>,
      tpu.vector_store %arg15[%swap3A_28, %swap3A_29], %broadcast_in_dim3A_1 {strides = array<i32>} : memref<128x64xf32, #tpu.memory_space<vmem>>, vector<16xf32>,
    }
    %scan3A_6 = arith.constant 128 : i32
    %scan3A_7 = arith.constant 0 : i32
    %scan3A_8 = arith.constant 0 : i32
    %scan3A_9 = arith.constant 5 : i32
    %scan3A_10 = arith.addi %scan3A_8, %scan3A_9 : i32
    %scan3A_11 = arith.constant 1 : i32
    scf.for %scan3A_19 = %scan3A_8 to %scan3A_10 step %scan3A_11  : i32 {
      %mul3A_20 = arith.constant 128 : i32
      %mul3A_21 = arith.muli %scan3A_19, %mul3A_20 : i32
      %add3A = arith.addi %mul3A_0, %mul3A_21 : i32
      %mul3A_22 = arith.constant 10240 : i32
      %mul3A_23 = arith.muli %arg0, %mul3A_22 : i32
      %add3A_24 = arith.addi %mul3A_23, %add3A : i32
      "tpu.region"() ({
        %run_scoped3A = tpu.sem_alloc : memref<!tpu.dma_semaphore, #tpu.memory_space<semaphore_mem>>
        %dma_start3A = arith.constant 0 : i32
        %dma_start3A_31 = tpu.memref_slice %arg2[%add3A_24, %dma_start3A] : memref<20480x64xf32, #tpu.memory_space<hbm>> -> memref<128x64xf32, #tpu.memory_space<hbm>>
        %dma_start3A_32 = arith.constant 0 : i32
        %dma_start3A_33 = tpu.memref_slice %arg2[%add3A_24, %dma_start3A_32] : memref<20480x64xf32, #tpu.memory_space<hbm>> -> memref<128x64xf32, #tpu.memory_space<hbm>>
        tpu.enqueue_dma source(%dma_start3A_33 : memref<128x64xf32, #tpu.memory_space<hbm>>) target(%arg14 : memref<128x64xf32, #tpu.memory_space<vmem>>) target_semaphore(%run_scoped3A : memref<!tpu.dma_semaphore, #tpu.memory_space<semaphore_mem>>)
        %dma_wait3A = arith.constant 0 : i32
        %dma_wait3A_34 = tpu.memref_slice %arg2[%add3A_24, %dma_wait3A] : memref<20480x64xf32, #tpu.memory_space<hbm>> -> memref<128x64xf32, #tpu.memory_space<hbm>>
        %dma_wait3A_35 = arith.constant 0 : i32
        %dma_wait3A_36 = tpu.memref_slice %arg2[%add3A_24, %dma_wait3A_35] : memref<20480x64xf32, #tpu.memory_space<hbm>> -> memref<128x64xf32, #tpu.memory_space<hbm>>
        tpu.wait_dma2 semaphore(%run_scoped3A : memref<!tpu.dma_semaphore, #tpu.memory_space<semaphore_mem>>) src(%dma_wait3A_36 : memref<128x64xf32, #tpu.memory_space<hbm>>) dst(%arg14 : memref<128x64xf32, #tpu.memory_space<vmem>>)
        tpu.yield
      }) : () -> ()
      %scan3A_25 = arith.constant 0 : i32
      %scan3A_26 = arith.constant 0 : i32
      %scan3A_27 = arith.constant 128 : i32
      %scan3A_28 = arith.addi %scan3A_26, %scan3A_27 : i32
      %scan3A_29 = arith.constant 1 : i32
      scf.for %scan3A_31 = %scan3A_26 to %scan3A_28 step %scan3A_29  : i32 {
        %get3A = arith.index_cast %scan3A_31 : i32 to index
        %get3A_32 = arith.constant 0 : index
        %get3A_33 = tpu.vector_load %arg14[%get3A, %get3A_32] {strides = array<i32>} : memref<128x64xf32, #tpu.memory_space<vmem>>, vector<16xf32>,
        %get3A_34 = arith.index_cast %scan3A_31 : i32 to index
        %get3A_35 = arith.constant 16 : index
        %get3A_36 = tpu.vector_load %arg14[%get3A_34, %get3A_35] {strides = array<i32>} : memref<128x64xf32, #tpu.memory_space<vmem>>, vector<16xf32>,
        %get3A_37 = arith.index_cast %scan3A_31 : i32 to index
        %get3A_38 = arith.constant 32 : index
        %get3A_39 = tpu.vector_load %arg14[%get3A_37, %get3A_38] {strides = array<i32>} : memref<128x64xf32, #tpu.memory_space<vmem>>, vector<16xf32>,
        %get3A_40 = arith.index_cast %scan3A_31 : i32 to index
        %get3A_41 = arith.constant 48 : index
        %get3A_42 = tpu.vector_load %arg14[%get3A_40, %get3A_41] {strides = array<i32>} : memref<128x64xf32, #tpu.memory_space<vmem>>, vector<16xf32>,
        %pack3A = tpu.pack_subelements %get3A_33, %get3A_36 {pack_format = #tpu.pack_format<interleaved>, positions = array<i32: 0, 1>} : vector<16xf32>, vector<16xf32> -> vector<32xbf16>
        %swap3A = arith.index_cast %scan3A_31 : i32 to index
        %swap3A_43 = arith.constant 0 : index
        %swap3A_44 = tpu.vector_load %arg10[%swap3A, %swap3A_43] {strides = array<i32>} : memref<128x64xbf16, #tpu.memory_space<vmem>>, vector<32xbf16>,
        tpu.vector_store %arg10[%swap3A, %swap3A_43], %pack3A {strides = array<i32>} : memref<128x64xbf16, #tpu.memory_space<vmem>>, vector<32xbf16>,
        %pack3A_45 = tpu.pack_subelements %get3A_39, %get3A_42 {pack_format = #tpu.pack_format<interleaved>, positions = array<i32: 0, 1>} : vector<16xf32>, vector<16xf32> -> vector<32xbf16>
        %swap3A_46 = arith.index_cast %scan3A_31 : i32 to index
        %swap3A_47 = arith.constant 32 : index
        %swap3A_48 = tpu.vector_load %arg10[%swap3A_46, %swap3A_47] {strides = array<i32>} : memref<128x64xbf16, #tpu.memory_space<vmem>>, vector<32xbf16>,
        tpu.vector_store %arg10[%swap3A_46, %swap3A_47], %pack3A_45 {strides = array<i32>} : memref<128x64xbf16, #tpu.memory_space<vmem>>, vector<32xbf16>,
      }
      %scan3A_30 = arith.constant 128 : i32
      "tpu.region"() ({
        %run_scoped3A = tpu.sem_alloc : memref<!tpu.dma_semaphore, #tpu.memory_space<semaphore_mem>>
        %dma_start3A = arith.constant 0 : i32
        %dma_start3A_31 = tpu.memref_slice %arg18[%add3A, %dma_start3A] : memref<10240x64xbf16, #tpu.memory_space<vmem_shared>> -> memref<128x64xbf16, #tpu.memory_space<vmem_shared>>
        %dma_start3A_32 = arith.constant 0 : i32
        %dma_start3A_33 = tpu.memref_slice %arg18[%add3A, %dma_start3A_32] : memref<10240x64xbf16, #tpu.memory_space<vmem_shared>> -> memref<128x64xbf16, #tpu.memory_space<vmem_shared>>
        tpu.enqueue_dma source(%arg10 : memref<128x64xbf16, #tpu.memory_space<vmem>>) target(%dma_start3A_33 : memref<128x64xbf16, #tpu.memory_space<vmem_shared>>) target_semaphore(%run_scoped3A : memref<!tpu.dma_semaphore, #tpu.memory_space<semaphore_mem>>)
        %dma_wait3A = arith.constant 0 : i32
        %dma_wait3A_34 = tpu.memref_slice %arg18[%add3A, %dma_wait3A] : memref<10240x64xbf16, #tpu.memory_space<vmem_shared>> -> memref<128x64xbf16, #tpu.memory_space<vmem_shared>>
        %dma_wait3A_35 = arith.constant 0 : i32
        %dma_wait3A_36 = tpu.memref_slice %arg18[%add3A, %dma_wait3A_35] : memref<10240x64xbf16, #tpu.memory_space<vmem_shared>> -> memref<128x64xbf16, #tpu.memory_space<vmem_shared>>
        tpu.wait_dma2 semaphore(%run_scoped3A : memref<!tpu.dma_semaphore, #tpu.memory_space<semaphore_mem>>) src(%arg10 : memref<128x64xbf16, #tpu.memory_space<vmem>>) dst(%dma_wait3A_36 : memref<128x64xbf16, #tpu.memory_space<vmem_shared>>)
        tpu.yield
      }) : () -> ()
      "tpu.region"() ({
        %run_scoped3A = tpu.sem_alloc : memref<!tpu.dma_semaphore, #tpu.memory_space<semaphore_mem>>
        %dma_start3A = arith.constant 0 : i32
        %dma_start3A_31 = tpu.memref_slice %arg19[%add3A, %dma_start3A] : memref<10240x64xf32, #tpu.memory_space<vmem_shared>> -> memref<128x64xf32, #tpu.memory_space<vmem_shared>>
        %dma_start3A_32 = arith.constant 0 : i32
        %dma_start3A_33 = tpu.memref_slice %arg19[%add3A, %dma_start3A_32] : memref<10240x64xf32, #tpu.memory_space<vmem_shared>> -> memref<128x64xf32, #tpu.memory_space<vmem_shared>>
        tpu.enqueue_dma source(%arg15 : memref<128x64xf32, #tpu.memory_space<vmem>>) target(%dma_start3A_33 : memref<128x64xf32, #tpu.memory_space<vmem_shared>>) target_semaphore(%run_scoped3A : memref<!tpu.dma_semaphore, #tpu.memory_space<semaphore_mem>>)
        %dma_wait3A = arith.constant 0 : i32
        %dma_wait3A_34 = tpu.memref_slice %arg19[%add3A, %dma_wait3A] : memref<10240x64xf32, #tpu.memory_space<vmem_shared>> -> memref<128x64xf32, #tpu.memory_space<vmem_shared>>
        %dma_wait3A_35 = arith.constant 0 : i32
        %dma_wait3A_36 = tpu.memref_slice %arg19[%add3A, %dma_wait3A_35] : memref<10240x64xf32, #tpu.memory_space<vmem_shared>> -> memref<128x64xf32, #tpu.memory_space<vmem_shared>>
        tpu.wait_dma2 semaphore(%run_scoped3A : memref<!tpu.dma_semaphore, #tpu.memory_space<semaphore_mem>>) src(%arg15 : memref<128x64xf32, #tpu.memory_space<vmem>>) dst(%dma_wait3A_36 : memref<128x64xf32, #tpu.memory_space<vmem_shared>>)
        tpu.yield
      }) : () -> ()
    }
    %scan3A_12 = arith.constant 5 : i32
    %barrier3A = arith.constant 0 : index
    tpu.barrier barrier_id(%barrier3A)
    %scan3A_13 = arith.constant 0 : i32
    %scan3A_14 = arith.constant 0 : i32
    %scan3A_15 = arith.constant 3 : i32
    %scan3A_16 = arith.addi %scan3A_14, %scan3A_15 : i32
    %scan3A_17 = arith.constant 1 : i32
    scf.for %scan3A_19 = %scan3A_14 to %scan3A_16 step %scan3A_17  : i32 {
      %scan3A_20 = arith.constant 0 : i32
      %scan3A_21 = arith.constant 0 : i32
      %scan3A_22 = arith.constant 20 : i32
      %scan3A_23 = arith.addi %scan3A_21, %scan3A_22 : i32
      %scan3A_24 = arith.constant 1 : i32
      scf.for %scan3A_34 = %scan3A_21 to %scan3A_23 step %scan3A_24  : i32 {
        %dma_start3A = arith.constant 0 : i32
        %dma_start3A_35 = arith.constant 0 : i32
        %dma_start3A_36 = tpu.memref_slice %arg3[%arg1, %scan3A_34, %dma_start3A, %dma_start3A_35] : memref<16x20x8x128xi32, #tpu.memory_space<hbm>> -> memref<1x1x8x128xi32, #tpu.memory_space<hbm>>
        %dma_start3A_37 = tpu.memref_squeeze %dma_start3A_36 : memref<1x1x8x128xi32, #tpu.memory_space<hbm>> -> memref<8x128xi32, #tpu.memory_space<hbm>>
        %dma_start3A_38 = arith.constant 0 : i32
        %dma_start3A_39 = arith.constant 0 : i32
        %dma_start3A_40 = tpu.memref_slice %arg3[%arg1, %scan3A_34, %dma_start3A_38, %dma_start3A_39] : memref<16x20x8x128xi32, #tpu.memory_space<hbm>> -> memref<1x1x8x128xi32, #tpu.memory_space<hbm>>
        %dma_start3A_41 = tpu.memref_squeeze %dma_start3A_40 : memref<1x1x8x128xi32, #tpu.memory_space<hbm>> -> memref<8x128xi32, #tpu.memory_space<hbm>>
        tpu.enqueue_dma source(%dma_start3A_41 : memref<8x128xi32, #tpu.memory_space<hbm>>) target(%arg7 : memref<8x128xi32, #tpu.memory_space<vmem>>) target_semaphore(%arg20 : memref<!tpu.dma_semaphore, #tpu.memory_space<semaphore_mem>>)
        %dma_start3A_42 = arith.constant 0 : i32
        %dma_start3A_43 = arith.constant 0 : i32
        %dma_start3A_44 = tpu.memref_slice %arg4[%arg1, %scan3A_34, %dma_start3A_42, %dma_start3A_43] : memref<16x20x8x128xi32, #tpu.memory_space<hbm>> -> memref<1x1x8x128xi32, #tpu.memory_space<hbm>>
        %dma_start3A_45 = tpu.memref_squeeze %dma_start3A_44 : memref<1x1x8x128xi32, #tpu.memory_space<hbm>> -> memref<8x128xi32, #tpu.memory_space<hbm>>
        %dma_start3A_46 = arith.constant 0 : i32
        %dma_start3A_47 = arith.constant 0 : i32
        %dma_start3A_48 = tpu.memref_slice %arg4[%arg1, %scan3A_34, %dma_start3A_46, %dma_start3A_47] : memref<16x20x8x128xi32, #tpu.memory_space<hbm>> -> memref<1x1x8x128xi32, #tpu.memory_space<hbm>>
        %dma_start3A_49 = tpu.memref_squeeze %dma_start3A_48 : memref<1x1x8x128xi32, #tpu.memory_space<hbm>> -> memref<8x128xi32, #tpu.memory_space<hbm>>
        tpu.enqueue_dma source(%dma_start3A_49 : memref<8x128xi32, #tpu.memory_space<hbm>>) target(%arg8 : memref<8x128xi32, #tpu.memory_space<vmem>>) target_semaphore(%arg20 : memref<!tpu.dma_semaphore, #tpu.memory_space<semaphore_mem>>)
        %dma_start3A_50 = arith.constant 0 : i32
        %dma_start3A_51 = arith.constant 0 : i32
        %dma_start3A_52 = tpu.memref_slice %arg5[%arg1, %scan3A_34, %dma_start3A_50, %dma_start3A_51] : memref<16x20x8x128xf32, #tpu.memory_space<hbm>> -> memref<1x1x8x128xf32, #tpu.memory_space<hbm>>
        %dma_start3A_53 = tpu.memref_squeeze %dma_start3A_52 : memref<1x1x8x128xf32, #tpu.memory_space<hbm>> -> memref<8x128xf32, #tpu.memory_space<hbm>>
        %dma_start3A_54 = arith.constant 0 : i32
        %dma_start3A_55 = arith.constant 0 : i32
        %dma_start3A_56 = tpu.memref_slice %arg5[%arg1, %scan3A_34, %dma_start3A_54, %dma_start3A_55] : memref<16x20x8x128xf32, #tpu.memory_space<hbm>> -> memref<1x1x8x128xf32, #tpu.memory_space<hbm>>
        %dma_start3A_57 = tpu.memref_squeeze %dma_start3A_56 : memref<1x1x8x128xf32, #tpu.memory_space<hbm>> -> memref<8x128xf32, #tpu.memory_space<hbm>>
        tpu.enqueue_dma source(%dma_start3A_57 : memref<8x128xf32, #tpu.memory_space<hbm>>) target(%arg9 : memref<8x128xf32, #tpu.memory_space<vmem>>) target_semaphore(%arg20 : memref<!tpu.dma_semaphore, #tpu.memory_space<semaphore_mem>>)
        %dma_wait3A = arith.constant 0 : i32
        %dma_wait3A_58 = arith.constant 0 : i32
        %dma_wait3A_59 = tpu.memref_slice %arg3[%arg1, %scan3A_34, %dma_wait3A, %dma_wait3A_58] : memref<16x20x8x128xi32, #tpu.memory_space<hbm>> -> memref<1x1x8x128xi32, #tpu.memory_space<hbm>>
        %dma_wait3A_60 = tpu.memref_squeeze %dma_wait3A_59 : memref<1x1x8x128xi32, #tpu.memory_space<hbm>> -> memref<8x128xi32, #tpu.memory_space<hbm>>
        %dma_wait3A_61 = arith.constant 0 : i32
        %dma_wait3A_62 = arith.constant 0 : i32
        %dma_wait3A_63 = tpu.memref_slice %arg3[%arg1, %scan3A_34, %dma_wait3A_61, %dma_wait3A_62] : memref<16x20x8x128xi32, #tpu.memory_space<hbm>> -> memref<1x1x8x128xi32, #tpu.memory_space<hbm>>
        %dma_wait3A_64 = tpu.memref_squeeze %dma_wait3A_63 : memref<1x1x8x128xi32, #tpu.memory_space<hbm>> -> memref<8x128xi32, #tpu.memory_space<hbm>>
        tpu.wait_dma2 semaphore(%arg20 : memref<!tpu.dma_semaphore, #tpu.memory_space<semaphore_mem>>) src(%dma_wait3A_64 : memref<8x128xi32, #tpu.memory_space<hbm>>) dst(%arg7 : memref<8x128xi32, #tpu.memory_space<vmem>>)
        %dma_wait3A_65 = arith.constant 0 : i32
        %dma_wait3A_66 = arith.constant 0 : i32
        %dma_wait3A_67 = tpu.memref_slice %arg4[%arg1, %scan3A_34, %dma_wait3A_65, %dma_wait3A_66] : memref<16x20x8x128xi32, #tpu.memory_space<hbm>> -> memref<1x1x8x128xi32, #tpu.memory_space<hbm>>
        %dma_wait3A_68 = tpu.memref_squeeze %dma_wait3A_67 : memref<1x1x8x128xi32, #tpu.memory_space<hbm>> -> memref<8x128xi32, #tpu.memory_space<hbm>>
        %dma_wait3A_69 = arith.constant 0 : i32
        %dma_wait3A_70 = arith.constant 0 : i32
        %dma_wait3A_71 = tpu.memref_slice %arg4[%arg1, %scan3A_34, %dma_wait3A_69, %dma_wait3A_70] : memref<16x20x8x128xi32, #tpu.memory_space<hbm>> -> memref<1x1x8x128xi32, #tpu.memory_space<hbm>>
        %dma_wait3A_72 = tpu.memref_squeeze %dma_wait3A_71 : memref<1x1x8x128xi32, #tpu.memory_space<hbm>> -> memref<8x128xi32, #tpu.memory_space<hbm>>
        tpu.wait_dma2 semaphore(%arg20 : memref<!tpu.dma_semaphore, #tpu.memory_space<semaphore_mem>>) src(%dma_wait3A_72 : memref<8x128xi32, #tpu.memory_space<hbm>>) dst(%arg8 : memref<8x128xi32, #tpu.memory_space<vmem>>)
        %dma_wait3A_73 = arith.constant 0 : i32
        %dma_wait3A_74 = arith.constant 0 : i32
        %dma_wait3A_75 = tpu.memref_slice %arg5[%arg1, %scan3A_34, %dma_wait3A_73, %dma_wait3A_74] : memref<16x20x8x128xf32, #tpu.memory_space<hbm>> -> memref<1x1x8x128xf32, #tpu.memory_space<hbm>>
        %dma_wait3A_76 = tpu.memref_squeeze %dma_wait3A_75 : memref<1x1x8x128xf32, #tpu.memory_space<hbm>> -> memref<8x128xf32, #tpu.memory_space<hbm>>
        %dma_wait3A_77 = arith.constant 0 : i32
        %dma_wait3A_78 = arith.constant 0 : i32
        %dma_wait3A_79 = tpu.memref_slice %arg5[%arg1, %scan3A_34, %dma_wait3A_77, %dma_wait3A_78] : memref<16x20x8x128xf32, #tpu.memory_space<hbm>> -> memref<1x1x8x128xf32, #tpu.memory_space<hbm>>
        %dma_wait3A_80 = tpu.memref_squeeze %dma_wait3A_79 : memref<1x1x8x128xf32, #tpu.memory_space<hbm>> -> memref<8x128xf32, #tpu.memory_space<hbm>>
        tpu.wait_dma2 semaphore(%arg20 : memref<!tpu.dma_semaphore, #tpu.memory_space<semaphore_mem>>) src(%dma_wait3A_80 : memref<8x128xf32, #tpu.memory_space<hbm>>) dst(%arg9 : memref<8x128xf32, #tpu.memory_space<vmem>>)
        %dma_start3A_81 = arith.constant 0 : i32
        %dma_start3A_82 = arith.constant 0 : i32
        %dma_start3A_83 = tpu.memref_slice %arg7[%dma_start3A_81, %dma_start3A_82] : memref<8x128xi32, #tpu.memory_space<vmem>> -> memref<1x128xi32, #tpu.memory_space<vmem>>
        %dma_start3A_84 = tpu.memref_squeeze %dma_start3A_83 : memref<1x128xi32, #tpu.memory_space<vmem>> -> memref<128xi32, #tpu.memory_space<vmem>>
        %dma_start3A_85 = arith.constant 0 : i32
        %dma_start3A_86 = arith.constant 0 : i32
        %dma_start3A_87 = tpu.memref_slice %arg18[%dma_start3A_85, %dma_start3A_86] : memref<10240x64xbf16, #tpu.memory_space<vmem_shared>> -> memref<10240x64xbf16, #tpu.memory_space<vmem_shared>>
        tpu.enqueue_indirect_dma source(%dma_start3A_87 : memref<10240x64xbf16, #tpu.memory_space<vmem_shared>>) target(%arg10 : memref<128x64xbf16, #tpu.memory_space<vmem>>) offsets(%dma_start3A_84 : memref<128xi32, #tpu.memory_space<vmem>>) semaphore(%arg21 : memref<!tpu.dma_semaphore, #tpu.memory_space<semaphore_mem>>)
        %dma_start3A_88 = arith.constant 1 : i32
        %dma_start3A_89 = arith.constant 0 : i32
        %dma_start3A_90 = tpu.memref_slice %arg7[%dma_start3A_88, %dma_start3A_89] : memref<8x128xi32, #tpu.memory_space<vmem>> -> memref<1x128xi32, #tpu.memory_space<vmem>>
        %dma_start3A_91 = tpu.memref_squeeze %dma_start3A_90 : memref<1x128xi32, #tpu.memory_space<vmem>> -> memref<128xi32, #tpu.memory_space<vmem>>
        %dma_start3A_92 = arith.constant 0 : i32
        %dma_start3A_93 = arith.constant 0 : i32
        %dma_start3A_94 = tpu.memref_slice %arg18[%dma_start3A_92, %dma_start3A_93] : memref<10240x64xbf16, #tpu.memory_space<vmem_shared>> -> memref<10240x64xbf16, #tpu.memory_space<vmem_shared>>
        tpu.enqueue_indirect_dma source(%dma_start3A_94 : memref<10240x64xbf16, #tpu.memory_space<vmem_shared>>) target(%arg11 : memref<128x64xbf16, #tpu.memory_space<vmem>>) offsets(%dma_start3A_91 : memref<128xi32, #tpu.memory_space<vmem>>) semaphore(%arg22 : memref<!tpu.dma_semaphore, #tpu.memory_space<semaphore_mem>>)
        %dma_start3A_95 = arith.constant 2 : i32
        %dma_start3A_96 = arith.constant 0 : i32
        %dma_start3A_97 = tpu.memref_slice %arg7[%dma_start3A_95, %dma_start3A_96] : memref<8x128xi32, #tpu.memory_space<vmem>> -> memref<1x128xi32, #tpu.memory_space<vmem>>
        %dma_start3A_98 = tpu.memref_squeeze %dma_start3A_97 : memref<1x128xi32, #tpu.memory_space<vmem>> -> memref<128xi32, #tpu.memory_space<vmem>>
        %dma_start3A_99 = arith.constant 0 : i32
        %dma_start3A_100 = arith.constant 0 : i32
        %dma_start3A_101 = tpu.memref_slice %arg18[%dma_start3A_99, %dma_start3A_100] : memref<10240x64xbf16, #tpu.memory_space<vmem_shared>> -> memref<10240x64xbf16, #tpu.memory_space<vmem_shared>>
        tpu.enqueue_indirect_dma source(%dma_start3A_101 : memref<10240x64xbf16, #tpu.memory_space<vmem_shared>>) target(%arg12 : memref<128x64xbf16, #tpu.memory_space<vmem>>) offsets(%dma_start3A_98 : memref<128xi32, #tpu.memory_space<vmem>>) semaphore(%arg23 : memref<!tpu.dma_semaphore, #tpu.memory_space<semaphore_mem>>)
        %dma_wait3A_102 = arith.constant 0 : i32
        %dma_wait3A_103 = arith.constant 0 : i32
        %dma_wait3A_104 = tpu.memref_slice %arg7[%dma_wait3A_102, %dma_wait3A_103] : memref<8x128xi32, #tpu.memory_space<vmem>> -> memref<1x128xi32, #tpu.memory_space<vmem>>
        %dma_wait3A_105 = tpu.memref_squeeze %dma_wait3A_104 : memref<1x128xi32, #tpu.memory_space<vmem>> -> memref<128xi32, #tpu.memory_space<vmem>>
        %dma_wait3A_106 = arith.constant 0 : i32
        %dma_wait3A_107 = arith.constant 0 : i32
        %dma_wait3A_108 = tpu.memref_slice %arg18[%dma_wait3A_106, %dma_wait3A_107] : memref<10240x64xbf16, #tpu.memory_space<vmem_shared>> -> memref<10240x64xbf16, #tpu.memory_space<vmem_shared>>
        tpu.wait_indirect_dma semaphore(%arg21 : memref<!tpu.dma_semaphore, #tpu.memory_space<semaphore_mem>>) src(%dma_wait3A_108 : memref<10240x64xbf16, #tpu.memory_space<vmem_shared>>) dst(%arg10 : memref<128x64xbf16, #tpu.memory_space<vmem>>)
        %dma_start3A_109 = arith.constant 0 : i32
        %dma_start3A_110 = arith.constant 0 : i32
        %dma_start3A_111 = tpu.memref_slice %arg8[%dma_start3A_109, %dma_start3A_110] : memref<8x128xi32, #tpu.memory_space<vmem>> -> memref<1x128xi32, #tpu.memory_space<vmem>>
        %dma_start3A_112 = tpu.memref_squeeze %dma_start3A_111 : memref<1x128xi32, #tpu.memory_space<vmem>> -> memref<128xi32, #tpu.memory_space<vmem>>
        %dma_start3A_113 = arith.constant 0 : i32
        %dma_start3A_114 = arith.constant 0 : i32
        %dma_start3A_115 = tpu.memref_slice %arg19[%dma_start3A_113, %dma_start3A_114] : memref<10240x64xf32, #tpu.memory_space<vmem_shared>> -> memref<10240x64xf32, #tpu.memory_space<vmem_shared>>
        tpu.enqueue_indirect_dma source(%arg14 : memref<128x64xf32, #tpu.memory_space<vmem>>) target(%dma_start3A_115 : memref<10240x64xf32, #tpu.memory_space<vmem_shared>>) offsets(%dma_start3A_112 : memref<128xi32, #tpu.memory_space<vmem>>) semaphore(%arg25 : memref<!tpu.dma_semaphore, #tpu.memory_space<semaphore_mem>>) {add = true}
        %dma_start3A_116 = arith.constant 3 : i32
        %dma_start3A_117 = arith.constant 0 : i32
        %dma_start3A_118 = tpu.memref_slice %arg7[%dma_start3A_116, %dma_start3A_117] : memref<8x128xi32, #tpu.memory_space<vmem>> -> memref<1x128xi32, #tpu.memory_space<vmem>>
        %dma_start3A_119 = tpu.memref_squeeze %dma_start3A_118 : memref<1x128xi32, #tpu.memory_space<vmem>> -> memref<128xi32, #tpu.memory_space<vmem>>
        %dma_start3A_120 = arith.constant 0 : i32
        %dma_start3A_121 = arith.constant 0 : i32
        %dma_start3A_122 = tpu.memref_slice %arg18[%dma_start3A_120, %dma_start3A_121] : memref<10240x64xbf16, #tpu.memory_space<vmem_shared>> -> memref<10240x64xbf16, #tpu.memory_space<vmem_shared>>
        tpu.enqueue_indirect_dma source(%dma_start3A_122 : memref<10240x64xbf16, #tpu.memory_space<vmem_shared>>) target(%arg13 : memref<128x64xbf16, #tpu.memory_space<vmem>>) offsets(%dma_start3A_119 : memref<128xi32, #tpu.memory_space<vmem>>) semaphore(%arg24 : memref<!tpu.dma_semaphore, #tpu.memory_space<semaphore_mem>>)
        %dma_wait3A_123 = arith.constant 1 : i32
        %dma_wait3A_124 = arith.constant 0 : i32
        %dma_wait3A_125 = tpu.memref_slice %arg7[%dma_wait3A_123, %dma_wait3A_124] : memref<8x128xi32, #tpu.memory_space<vmem>> -> memref<1x128xi32, #tpu.memory_space<vmem>>
        %dma_wait3A_126 = tpu.memref_squeeze %dma_wait3A_125 : memref<1x128xi32, #tpu.memory_space<vmem>> -> memref<128xi32, #tpu.memory_space<vmem>>
        %dma_wait3A_127 = arith.constant 0 : i32
        %dma_wait3A_128 = arith.constant 0 : i32
        %dma_wait3A_129 = tpu.memref_slice %arg18[%dma_wait3A_127, %dma_wait3A_128] : memref<10240x64xbf16, #tpu.memory_space<vmem_shared>> -> memref<10240x64xbf16, #tpu.memory_space<vmem_shared>>
        tpu.wait_indirect_dma semaphore(%arg22 : memref<!tpu.dma_semaphore, #tpu.memory_space<semaphore_mem>>) src(%dma_wait3A_129 : memref<10240x64xbf16, #tpu.memory_space<vmem_shared>>) dst(%arg11 : memref<128x64xbf16, #tpu.memory_space<vmem>>)
        %dma_start3A_130 = arith.constant 1 : i32
        %dma_start3A_131 = arith.constant 0 : i32
        %dma_start3A_132 = tpu.memref_slice %arg8[%dma_start3A_130, %dma_start3A_131] : memref<8x128xi32, #tpu.memory_space<vmem>> -> memref<1x128xi32, #tpu.memory_space<vmem>>
        %dma_start3A_133 = tpu.memref_squeeze %dma_start3A_132 : memref<1x128xi32, #tpu.memory_space<vmem>> -> memref<128xi32, #tpu.memory_space<vmem>>
        %dma_start3A_134 = arith.constant 0 : i32
        %dma_start3A_135 = arith.constant 0 : i32
        %dma_start3A_136 = tpu.memref_slice %arg19[%dma_start3A_134, %dma_start3A_135] : memref<10240x64xf32, #tpu.memory_space<vmem_shared>> -> memref<10240x64xf32, #tpu.memory_space<vmem_shared>>
        tpu.enqueue_indirect_dma source(%arg15 : memref<128x64xf32, #tpu.memory_space<vmem>>) target(%dma_start3A_136 : memref<10240x64xf32, #tpu.memory_space<vmem_shared>>) offsets(%dma_start3A_133 : memref<128xi32, #tpu.memory_space<vmem>>) semaphore(%arg26 : memref<!tpu.dma_semaphore, #tpu.memory_space<semaphore_mem>>) {add = true}
        %dma_wait3A_137 = arith.constant 0 : i32
        %dma_wait3A_138 = arith.constant 0 : i32
        %dma_wait3A_139 = tpu.memref_slice %arg8[%dma_wait3A_137, %dma_wait3A_138] : memref<8x128xi32, #tpu.memory_space<vmem>> -> memref<1x128xi32, #tpu.memory_space<vmem>>
        %dma_wait3A_140 = tpu.memref_squeeze %dma_wait3A_139 : memref<1x128xi32, #tpu.memory_space<vmem>> -> memref<128xi32, #tpu.memory_space<vmem>>
        %dma_wait3A_141 = arith.constant 0 : i32
        %dma_wait3A_142 = arith.constant 0 : i32
        %dma_wait3A_143 = tpu.memref_slice %arg19[%dma_wait3A_141, %dma_wait3A_142] : memref<10240x64xf32, #tpu.memory_space<vmem_shared>> -> memref<10240x64xf32, #tpu.memory_space<vmem_shared>>
        tpu.wait_indirect_dma semaphore(%arg25 : memref<!tpu.dma_semaphore, #tpu.memory_space<semaphore_mem>>) src(%arg14 : memref<128x64xf32, #tpu.memory_space<vmem>>) dst(%dma_wait3A_143 : memref<10240x64xf32, #tpu.memory_space<vmem_shared>>)
        %dma_start3A_144 = arith.constant 4 : i32
        %dma_start3A_145 = arith.constant 0 : i32
        %dma_start3A_146 = tpu.memref_slice %arg7[%dma_start3A_144, %dma_start3A_145] : memref<8x128xi32, #tpu.memory_space<vmem>> -> memref<1x128xi32, #tpu.memory_space<vmem>>
        %dma_start3A_147 = tpu.memref_squeeze %dma_start3A_146 : memref<1x128xi32, #tpu.memory_space<vmem>> -> memref<128xi32, #tpu.memory_space<vmem>>
        %dma_start3A_148 = arith.constant 0 : i32
        %dma_start3A_149 = arith.constant 0 : i32
        %dma_start3A_150 = tpu.memref_slice %arg18[%dma_start3A_148, %dma_start3A_149] : memref<10240x64xbf16, #tpu.memory_space<vmem_shared>> -> memref<10240x64xbf16, #tpu.memory_space<vmem_shared>>
        tpu.enqueue_indirect_dma source(%dma_start3A_150 : memref<10240x64xbf16, #tpu.memory_space<vmem_shared>>) target(%arg10 : memref<128x64xbf16, #tpu.memory_space<vmem>>) offsets(%dma_start3A_147 : memref<128xi32, #tpu.memory_space<vmem>>) semaphore(%arg21 : memref<!tpu.dma_semaphore, #tpu.memory_space<semaphore_mem>>)
        %dma_wait3A_151 = arith.constant 2 : i32
        %dma_wait3A_152 = arith.constant 0 : i32
        %dma_wait3A_153 = tpu.memref_slice %arg7[%dma_wait3A_151, %dma_wait3A_152] : memref<8x128xi32, #tpu.memory_space<vmem>> -> memref<1x128xi32, #tpu.memory_space<vmem>>
        %dma_wait3A_154 = tpu.memref_squeeze %dma_wait3A_153 : memref<1x128xi32, #tpu.memory_space<vmem>> -> memref<128xi32, #tpu.memory_space<vmem>>
        %dma_wait3A_155 = arith.constant 0 : i32
        %dma_wait3A_156 = arith.constant 0 : i32
        %dma_wait3A_157 = tpu.memref_slice %arg18[%dma_wait3A_155, %dma_wait3A_156] : memref<10240x64xbf16, #tpu.memory_space<vmem_shared>> -> memref<10240x64xbf16, #tpu.memory_space<vmem_shared>>
        tpu.wait_indirect_dma semaphore(%arg23 : memref<!tpu.dma_semaphore, #tpu.memory_space<semaphore_mem>>) src(%dma_wait3A_157 : memref<10240x64xbf16, #tpu.memory_space<vmem_shared>>) dst(%arg12 : memref<128x64xbf16, #tpu.memory_space<vmem>>)
        %dma_start3A_158 = arith.constant 2 : i32
        %dma_start3A_159 = arith.constant 0 : i32
        %dma_start3A_160 = tpu.memref_slice %arg8[%dma_start3A_158, %dma_start3A_159] : memref<8x128xi32, #tpu.memory_space<vmem>> -> memref<1x128xi32, #tpu.memory_space<vmem>>
        %dma_start3A_161 = tpu.memref_squeeze %dma_start3A_160 : memref<1x128xi32, #tpu.memory_space<vmem>> -> memref<128xi32, #tpu.memory_space<vmem>>
        %dma_start3A_162 = arith.constant 0 : i32
        %dma_start3A_163 = arith.constant 0 : i32
        %dma_start3A_164 = tpu.memref_slice %arg19[%dma_start3A_162, %dma_start3A_163] : memref<10240x64xf32, #tpu.memory_space<vmem_shared>> -> memref<10240x64xf32, #tpu.memory_space<vmem_shared>>
        tpu.enqueue_indirect_dma source(%arg16 : memref<128x64xf32, #tpu.memory_space<vmem>>) target(%dma_start3A_164 : memref<10240x64xf32, #tpu.memory_space<vmem_shared>>) offsets(%dma_start3A_161 : memref<128xi32, #tpu.memory_space<vmem>>) semaphore(%arg27 : memref<!tpu.dma_semaphore, #tpu.memory_space<semaphore_mem>>) {add = true}
        %dma_wait3A_165 = arith.constant 1 : i32
        %dma_wait3A_166 = arith.constant 0 : i32
        %dma_wait3A_167 = tpu.memref_slice %arg8[%dma_wait3A_165, %dma_wait3A_166] : memref<8x128xi32, #tpu.memory_space<vmem>> -> memref<1x128xi32, #tpu.memory_space<vmem>>
        %dma_wait3A_168 = tpu.memref_squeeze %dma_wait3A_167 : memref<1x128xi32, #tpu.memory_space<vmem>> -> memref<128xi32, #tpu.memory_space<vmem>>
        %dma_wait3A_169 = arith.constant 0 : i32
        %dma_wait3A_170 = arith.constant 0 : i32
        %dma_wait3A_171 = tpu.memref_slice %arg19[%dma_wait3A_169, %dma_wait3A_170] : memref<10240x64xf32, #tpu.memory_space<vmem_shared>> -> memref<10240x64xf32, #tpu.memory_space<vmem_shared>>
        tpu.wait_indirect_dma semaphore(%arg26 : memref<!tpu.dma_semaphore, #tpu.memory_space<semaphore_mem>>) src(%arg15 : memref<128x64xf32, #tpu.memory_space<vmem>>) dst(%dma_wait3A_171 : memref<10240x64xf32, #tpu.memory_space<vmem_shared>>)
        %dma_start3A_172 = arith.constant 5 : i32
        %dma_start3A_173 = arith.constant 0 : i32
        %dma_start3A_174 = tpu.memref_slice %arg7[%dma_start3A_172, %dma_start3A_173] : memref<8x128xi32, #tpu.memory_space<vmem>> -> memref<1x128xi32, #tpu.memory_space<vmem>>
        %dma_start3A_175 = tpu.memref_squeeze %dma_start3A_174 : memref<1x128xi32, #tpu.memory_space<vmem>> -> memref<128xi32, #tpu.memory_space<vmem>>
        %dma_start3A_176 = arith.constant 0 : i32
        %dma_start3A_177 = arith.constant 0 : i32
        %dma_start3A_178 = tpu.memref_slice %arg18[%dma_start3A_176, %dma_start3A_177] : memref<10240x64xbf16, #tpu.memory_space<vmem_shared>> -> memref<10240x64xbf16, #tpu.memory_space<vmem_shared>>
        tpu.enqueue_indirect_dma source(%dma_start3A_178 : memref<10240x64xbf16, #tpu.memory_space<vmem_shared>>) target(%arg11 : memref<128x64xbf16, #tpu.memory_space<vmem>>) offsets(%dma_start3A_175 : memref<128xi32, #tpu.memory_space<vmem>>) semaphore(%arg22 : memref<!tpu.dma_semaphore, #tpu.memory_space<semaphore_mem>>)
        %dma_wait3A_179 = arith.constant 3 : i32
        %dma_wait3A_180 = arith.constant 0 : i32
        %dma_wait3A_181 = tpu.memref_slice %arg7[%dma_wait3A_179, %dma_wait3A_180] : memref<8x128xi32, #tpu.memory_space<vmem>> -> memref<1x128xi32, #tpu.memory_space<vmem>>
        %dma_wait3A_182 = tpu.memref_squeeze %dma_wait3A_181 : memref<1x128xi32, #tpu.memory_space<vmem>> -> memref<128xi32, #tpu.memory_space<vmem>>
        %dma_wait3A_183 = arith.constant 0 : i32
        %dma_wait3A_184 = arith.constant 0 : i32
        %dma_wait3A_185 = tpu.memref_slice %arg18[%dma_wait3A_183, %dma_wait3A_184] : memref<10240x64xbf16, #tpu.memory_space<vmem_shared>> -> memref<10240x64xbf16, #tpu.memory_space<vmem_shared>>
        tpu.wait_indirect_dma semaphore(%arg24 : memref<!tpu.dma_semaphore, #tpu.memory_space<semaphore_mem>>) src(%dma_wait3A_185 : memref<10240x64xbf16, #tpu.memory_space<vmem_shared>>) dst(%arg13 : memref<128x64xbf16, #tpu.memory_space<vmem>>)
        %dma_start3A_186 = arith.constant 3 : i32
        %dma_start3A_187 = arith.constant 0 : i32
        %dma_start3A_188 = tpu.memref_slice %arg8[%dma_start3A_186, %dma_start3A_187] : memref<8x128xi32, #tpu.memory_space<vmem>> -> memref<1x128xi32, #tpu.memory_space<vmem>>
        %dma_start3A_189 = tpu.memref_squeeze %dma_start3A_188 : memref<1x128xi32, #tpu.memory_space<vmem>> -> memref<128xi32, #tpu.memory_space<vmem>>
        %dma_start3A_190 = arith.constant 0 : i32
        %dma_start3A_191 = arith.constant 0 : i32
        %dma_start3A_192 = tpu.memref_slice %arg19[%dma_start3A_190, %dma_start3A_191] : memref<10240x64xf32, #tpu.memory_space<vmem_shared>> -> memref<10240x64xf32, #tpu.memory_space<vmem_shared>>
        tpu.enqueue_indirect_dma source(%arg17 : memref<128x64xf32, #tpu.memory_space<vmem>>) target(%dma_start3A_192 : memref<10240x64xf32, #tpu.memory_space<vmem_shared>>) offsets(%dma_start3A_189 : memref<128xi32, #tpu.memory_space<vmem>>) semaphore(%arg28 : memref<!tpu.dma_semaphore, #tpu.memory_space<semaphore_mem>>) {add = true}
        %dma_wait3A_193 = arith.constant 2 : i32
        %dma_wait3A_194 = arith.constant 0 : i32
        %dma_wait3A_195 = tpu.memref_slice %arg8[%dma_wait3A_193, %dma_wait3A_194] : memref<8x128xi32, #tpu.memory_space<vmem>> -> memref<1x128xi32, #tpu.memory_space<vmem>>
        %dma_wait3A_196 = tpu.memref_squeeze %dma_wait3A_195 : memref<1x128xi32, #tpu.memory_space<vmem>> -> memref<128xi32, #tpu.memory_space<vmem>>
        %dma_wait3A_197 = arith.constant 0 : i32
        %dma_wait3A_198 = arith.constant 0 : i32
        %dma_wait3A_199 = tpu.memref_slice %arg19[%dma_wait3A_197, %dma_wait3A_198] : memref<10240x64xf32, #tpu.memory_space<vmem_shared>> -> memref<10240x64xf32, #tpu.memory_space<vmem_shared>>
        tpu.wait_indirect_dma semaphore(%arg27 : memref<!tpu.dma_semaphore, #tpu.memory_space<semaphore_mem>>) src(%arg16 : memref<128x64xf32, #tpu.memory_space<vmem>>) dst(%dma_wait3A_199 : memref<10240x64xf32, #tpu.memory_space<vmem_shared>>)
        %dma_start3A_200 = arith.constant 6 : i32
        %dma_start3A_201 = arith.constant 0 : i32
        %dma_start3A_202 = tpu.memref_slice %arg7[%dma_start3A_200, %dma_start3A_201] : memref<8x128xi32, #tpu.memory_space<vmem>> -> memref<1x128xi32, #tpu.memory_space<vmem>>
        %dma_start3A_203 = tpu.memref_squeeze %dma_start3A_202 : memref<1x128xi32, #tpu.memory_space<vmem>> -> memref<128xi32, #tpu.memory_space<vmem>>
        %dma_start3A_204 = arith.constant 0 : i32
        %dma_start3A_205 = arith.constant 0 : i32
        %dma_start3A_206 = tpu.memref_slice %arg18[%dma_start3A_204, %dma_start3A_205] : memref<10240x64xbf16, #tpu.memory_space<vmem_shared>> -> memref<10240x64xbf16, #tpu.memory_space<vmem_shared>>
        tpu.enqueue_indirect_dma source(%dma_start3A_206 : memref<10240x64xbf16, #tpu.memory_space<vmem_shared>>) target(%arg12 : memref<128x64xbf16, #tpu.memory_space<vmem>>) offsets(%dma_start3A_203 : memref<128xi32, #tpu.memory_space<vmem>>) semaphore(%arg23 : memref<!tpu.dma_semaphore, #tpu.memory_space<semaphore_mem>>)
        %dma_wait3A_207 = arith.constant 4 : i32
        %dma_wait3A_208 = arith.constant 0 : i32
        %dma_wait3A_209 = tpu.memref_slice %arg7[%dma_wait3A_207, %dma_wait3A_208] : memref<8x128xi32, #tpu.memory_space<vmem>> -> memref<1x128xi32, #tpu.memory_space<vmem>>
        %dma_wait3A_210 = tpu.memref_squeeze %dma_wait3A_209 : memref<1x128xi32, #tpu.memory_space<vmem>> -> memref<128xi32, #tpu.memory_space<vmem>>
        %dma_wait3A_211 = arith.constant 0 : i32
        %dma_wait3A_212 = arith.constant 0 : i32
        %dma_wait3A_213 = tpu.memref_slice %arg18[%dma_wait3A_211, %dma_wait3A_212] : memref<10240x64xbf16, #tpu.memory_space<vmem_shared>> -> memref<10240x64xbf16, #tpu.memory_space<vmem_shared>>
        tpu.wait_indirect_dma semaphore(%arg21 : memref<!tpu.dma_semaphore, #tpu.memory_space<semaphore_mem>>) src(%dma_wait3A_213 : memref<10240x64xbf16, #tpu.memory_space<vmem_shared>>) dst(%arg10 : memref<128x64xbf16, #tpu.memory_space<vmem>>)
        %dma_start3A_214 = arith.constant 4 : i32
        %dma_start3A_215 = arith.constant 0 : i32
        %dma_start3A_216 = tpu.memref_slice %arg8[%dma_start3A_214, %dma_start3A_215] : memref<8x128xi32, #tpu.memory_space<vmem>> -> memref<1x128xi32, #tpu.memory_space<vmem>>
        %dma_start3A_217 = tpu.memref_squeeze %dma_start3A_216 : memref<1x128xi32, #tpu.memory_space<vmem>> -> memref<128xi32, #tpu.memory_space<vmem>>
        %dma_start3A_218 = arith.constant 0 : i32
        %dma_start3A_219 = arith.constant 0 : i32
        %dma_start3A_220 = tpu.memref_slice %arg19[%dma_start3A_218, %dma_start3A_219] : memref<10240x64xf32, #tpu.memory_space<vmem_shared>> -> memref<10240x64xf32, #tpu.memory_space<vmem_shared>>
        tpu.enqueue_indirect_dma source(%arg14 : memref<128x64xf32, #tpu.memory_space<vmem>>) target(%dma_start3A_220 : memref<10240x64xf32, #tpu.memory_space<vmem_shared>>) offsets(%dma_start3A_217 : memref<128xi32, #tpu.memory_space<vmem>>) semaphore(%arg25 : memref<!tpu.dma_semaphore, #tpu.memory_space<semaphore_mem>>) {add = true}
        %dma_wait3A_221 = arith.constant 3 : i32
        %dma_wait3A_222 = arith.constant 0 : i32
        %dma_wait3A_223 = tpu.memref_slice %arg8[%dma_wait3A_221, %dma_wait3A_222] : memref<8x128xi32, #tpu.memory_space<vmem>> -> memref<1x128xi32, #tpu.memory_space<vmem>>
        %dma_wait3A_224 = tpu.memref_squeeze %dma_wait3A_223 : memref<1x128xi32, #tpu.memory_space<vmem>> -> memref<128xi32, #tpu.memory_space<vmem>>
        %dma_wait3A_225 = arith.constant 0 : i32
        %dma_wait3A_226 = arith.constant 0 : i32
        %dma_wait3A_227 = tpu.memref_slice %arg19[%dma_wait3A_225, %dma_wait3A_226] : memref<10240x64xf32, #tpu.memory_space<vmem_shared>> -> memref<10240x64xf32, #tpu.memory_space<vmem_shared>>
        tpu.wait_indirect_dma semaphore(%arg28 : memref<!tpu.dma_semaphore, #tpu.memory_space<semaphore_mem>>) src(%arg17 : memref<128x64xf32, #tpu.memory_space<vmem>>) dst(%dma_wait3A_227 : memref<10240x64xf32, #tpu.memory_space<vmem_shared>>)
        %dma_start3A_228 = arith.constant 7 : i32
        %dma_start3A_229 = arith.constant 0 : i32
        %dma_start3A_230 = tpu.memref_slice %arg7[%dma_start3A_228, %dma_start3A_229] : memref<8x128xi32, #tpu.memory_space<vmem>> -> memref<1x128xi32, #tpu.memory_space<vmem>>
        %dma_start3A_231 = tpu.memref_squeeze %dma_start3A_230 : memref<1x128xi32, #tpu.memory_space<vmem>> -> memref<128xi32, #tpu.memory_space<vmem>>
        %dma_start3A_232 = arith.constant 0 : i32
        %dma_start3A_233 = arith.constant 0 : i32
        %dma_start3A_234 = tpu.memref_slice %arg18[%dma_start3A_232, %dma_start3A_233] : memref<10240x64xbf16, #tpu.memory_space<vmem_shared>> -> memref<10240x64xbf16, #tpu.memory_space<vmem_shared>>
        tpu.enqueue_indirect_dma source(%dma_start3A_234 : memref<10240x64xbf16, #tpu.memory_space<vmem_shared>>) target(%arg13 : memref<128x64xbf16, #tpu.memory_space<vmem>>) offsets(%dma_start3A_231 : memref<128xi32, #tpu.memory_space<vmem>>) semaphore(%arg24 : memref<!tpu.dma_semaphore, #tpu.memory_space<semaphore_mem>>)
        %dma_wait3A_235 = arith.constant 5 : i32
        %dma_wait3A_236 = arith.constant 0 : i32
        %dma_wait3A_237 = tpu.memref_slice %arg7[%dma_wait3A_235, %dma_wait3A_236] : memref<8x128xi32, #tpu.memory_space<vmem>> -> memref<1x128xi32, #tpu.memory_space<vmem>>
        %dma_wait3A_238 = tpu.memref_squeeze %dma_wait3A_237 : memref<1x128xi32, #tpu.memory_space<vmem>> -> memref<128xi32, #tpu.memory_space<vmem>>
        %dma_wait3A_239 = arith.constant 0 : i32
        %dma_wait3A_240 = arith.constant 0 : i32
        %dma_wait3A_241 = tpu.memref_slice %arg18[%dma_wait3A_239, %dma_wait3A_240] : memref<10240x64xbf16, #tpu.memory_space<vmem_shared>> -> memref<10240x64xbf16, #tpu.memory_space<vmem_shared>>
        tpu.wait_indirect_dma semaphore(%arg22 : memref<!tpu.dma_semaphore, #tpu.memory_space<semaphore_mem>>) src(%dma_wait3A_241 : memref<10240x64xbf16, #tpu.memory_space<vmem_shared>>) dst(%arg11 : memref<128x64xbf16, #tpu.memory_space<vmem>>)
        %dma_start3A_242 = arith.constant 5 : i32
        %dma_start3A_243 = arith.constant 0 : i32
        %dma_start3A_244 = tpu.memref_slice %arg8[%dma_start3A_242, %dma_start3A_243] : memref<8x128xi32, #tpu.memory_space<vmem>> -> memref<1x128xi32, #tpu.memory_space<vmem>>
        %dma_start3A_245 = tpu.memref_squeeze %dma_start3A_244 : memref<1x128xi32, #tpu.memory_space<vmem>> -> memref<128xi32, #tpu.memory_space<vmem>>
        %dma_start3A_246 = arith.constant 0 : i32
        %dma_start3A_247 = arith.constant 0 : i32
        %dma_start3A_248 = tpu.memref_slice %arg19[%dma_start3A_246, %dma_start3A_247] : memref<10240x64xf32, #tpu.memory_space<vmem_shared>> -> memref<10240x64xf32, #tpu.memory_space<vmem_shared>>
        tpu.enqueue_indirect_dma source(%arg15 : memref<128x64xf32, #tpu.memory_space<vmem>>) target(%dma_start3A_248 : memref<10240x64xf32, #tpu.memory_space<vmem_shared>>) offsets(%dma_start3A_245 : memref<128xi32, #tpu.memory_space<vmem>>) semaphore(%arg26 : memref<!tpu.dma_semaphore, #tpu.memory_space<semaphore_mem>>) {add = true}
        %dma_wait3A_249 = arith.constant 6 : i32
        %dma_wait3A_250 = arith.constant 0 : i32
        %dma_wait3A_251 = tpu.memref_slice %arg7[%dma_wait3A_249, %dma_wait3A_250] : memref<8x128xi32, #tpu.memory_space<vmem>> -> memref<1x128xi32, #tpu.memory_space<vmem>>
        %dma_wait3A_252 = tpu.memref_squeeze %dma_wait3A_251 : memref<1x128xi32, #tpu.memory_space<vmem>> -> memref<128xi32, #tpu.memory_space<vmem>>
        %dma_wait3A_253 = arith.constant 0 : i32
        %dma_wait3A_254 = arith.constant 0 : i32
        %dma_wait3A_255 = tpu.memref_slice %arg18[%dma_wait3A_253, %dma_wait3A_254] : memref<10240x64xbf16, #tpu.memory_space<vmem_shared>> -> memref<10240x64xbf16, #tpu.memory_space<vmem_shared>>
        tpu.wait_indirect_dma semaphore(%arg23 : memref<!tpu.dma_semaphore, #tpu.memory_space<semaphore_mem>>) src(%dma_wait3A_255 : memref<10240x64xbf16, #tpu.memory_space<vmem_shared>>) dst(%arg12 : memref<128x64xbf16, #tpu.memory_space<vmem>>)
        %dma_start3A_256 = arith.constant 6 : i32
        %dma_start3A_257 = arith.constant 0 : i32
        %dma_start3A_258 = tpu.memref_slice %arg8[%dma_start3A_256, %dma_start3A_257] : memref<8x128xi32, #tpu.memory_space<vmem>> -> memref<1x128xi32, #tpu.memory_space<vmem>>
        %dma_start3A_259 = tpu.memref_squeeze %dma_start3A_258 : memref<1x128xi32, #tpu.memory_space<vmem>> -> memref<128xi32, #tpu.memory_space<vmem>>
        %dma_start3A_260 = arith.constant 0 : i32
        %dma_start3A_261 = arith.constant 0 : i32
        %dma_start3A_262 = tpu.memref_slice %arg19[%dma_start3A_260, %dma_start3A_261] : memref<10240x64xf32, #tpu.memory_space<vmem_shared>> -> memref<10240x64xf32, #tpu.memory_space<vmem_shared>>
        tpu.enqueue_indirect_dma source(%arg16 : memref<128x64xf32, #tpu.memory_space<vmem>>) target(%dma_start3A_262 : memref<10240x64xf32, #tpu.memory_space<vmem_shared>>) offsets(%dma_start3A_259 : memref<128xi32, #tpu.memory_space<vmem>>) semaphore(%arg27 : memref<!tpu.dma_semaphore, #tpu.memory_space<semaphore_mem>>) {add = true}
        %dma_wait3A_263 = arith.constant 7 : i32
        %dma_wait3A_264 = arith.constant 0 : i32
        %dma_wait3A_265 = tpu.memref_slice %arg7[%dma_wait3A_263, %dma_wait3A_264] : memref<8x128xi32, #tpu.memory_space<vmem>> -> memref<1x128xi32, #tpu.memory_space<vmem>>
        %dma_wait3A_266 = tpu.memref_squeeze %dma_wait3A_265 : memref<1x128xi32, #tpu.memory_space<vmem>> -> memref<128xi32, #tpu.memory_space<vmem>>
        %dma_wait3A_267 = arith.constant 0 : i32
        %dma_wait3A_268 = arith.constant 0 : i32
        %dma_wait3A_269 = tpu.memref_slice %arg18[%dma_wait3A_267, %dma_wait3A_268] : memref<10240x64xbf16, #tpu.memory_space<vmem_shared>> -> memref<10240x64xbf16, #tpu.memory_space<vmem_shared>>
        tpu.wait_indirect_dma semaphore(%arg24 : memref<!tpu.dma_semaphore, #tpu.memory_space<semaphore_mem>>) src(%dma_wait3A_269 : memref<10240x64xbf16, #tpu.memory_space<vmem_shared>>) dst(%arg13 : memref<128x64xbf16, #tpu.memory_space<vmem>>)
        %dma_start3A_270 = arith.constant 7 : i32
        %dma_start3A_271 = arith.constant 0 : i32
        %dma_start3A_272 = tpu.memref_slice %arg8[%dma_start3A_270, %dma_start3A_271] : memref<8x128xi32, #tpu.memory_space<vmem>> -> memref<1x128xi32, #tpu.memory_space<vmem>>
        %dma_start3A_273 = tpu.memref_squeeze %dma_start3A_272 : memref<1x128xi32, #tpu.memory_space<vmem>> -> memref<128xi32, #tpu.memory_space<vmem>>
        %dma_start3A_274 = arith.constant 0 : i32
        %dma_start3A_275 = arith.constant 0 : i32
        %dma_start3A_276 = tpu.memref_slice %arg19[%dma_start3A_274, %dma_start3A_275] : memref<10240x64xf32, #tpu.memory_space<vmem_shared>> -> memref<10240x64xf32, #tpu.memory_space<vmem_shared>>
        tpu.enqueue_indirect_dma source(%arg17 : memref<128x64xf32, #tpu.memory_space<vmem>>) target(%dma_start3A_276 : memref<10240x64xf32, #tpu.memory_space<vmem_shared>>) offsets(%dma_start3A_273 : memref<128xi32, #tpu.memory_space<vmem>>) semaphore(%arg28 : memref<!tpu.dma_semaphore, #tpu.memory_space<semaphore_mem>>) {add = true}
        %dma_wait3A_277 = arith.constant 4 : i32
        %dma_wait3A_278 = arith.constant 0 : i32
        %dma_wait3A_279 = tpu.memref_slice %arg8[%dma_wait3A_277, %dma_wait3A_278] : memref<8x128xi32, #tpu.memory_space<vmem>> -> memref<1x128xi32, #tpu.memory_space<vmem>>
        %dma_wait3A_280 = tpu.memref_squeeze %dma_wait3A_279 : memref<1x128xi32, #tpu.memory_space<vmem>> -> memref<128xi32, #tpu.memory_space<vmem>>
        %dma_wait3A_281 = arith.constant 0 : i32
        %dma_wait3A_282 = arith.constant 0 : i32
        %dma_wait3A_283 = tpu.memref_slice %arg19[%dma_wait3A_281, %dma_wait3A_282] : memref<10240x64xf32, #tpu.memory_space<vmem_shared>> -> memref<10240x64xf32, #tpu.memory_space<vmem_shared>>
        tpu.wait_indirect_dma semaphore(%arg25 : memref<!tpu.dma_semaphore, #tpu.memory_space<semaphore_mem>>) src(%arg14 : memref<128x64xf32, #tpu.memory_space<vmem>>) dst(%dma_wait3A_283 : memref<10240x64xf32, #tpu.memory_space<vmem_shared>>)
        %dma_wait3A_284 = arith.constant 5 : i32
        %dma_wait3A_285 = arith.constant 0 : i32
        %dma_wait3A_286 = tpu.memref_slice %arg8[%dma_wait3A_284, %dma_wait3A_285] : memref<8x128xi32, #tpu.memory_space<vmem>> -> memref<1x128xi32, #tpu.memory_space<vmem>>
        %dma_wait3A_287 = tpu.memref_squeeze %dma_wait3A_286 : memref<1x128xi32, #tpu.memory_space<vmem>> -> memref<128xi32, #tpu.memory_space<vmem>>
        %dma_wait3A_288 = arith.constant 0 : i32
        %dma_wait3A_289 = arith.constant 0 : i32
        %dma_wait3A_290 = tpu.memref_slice %arg19[%dma_wait3A_288, %dma_wait3A_289] : memref<10240x64xf32, #tpu.memory_space<vmem_shared>> -> memref<10240x64xf32, #tpu.memory_space<vmem_shared>>
        tpu.wait_indirect_dma semaphore(%arg26 : memref<!tpu.dma_semaphore, #tpu.memory_space<semaphore_mem>>) src(%arg15 : memref<128x64xf32, #tpu.memory_space<vmem>>) dst(%dma_wait3A_290 : memref<10240x64xf32, #tpu.memory_space<vmem_shared>>)
        %dma_wait3A_291 = arith.constant 6 : i32
        %dma_wait3A_292 = arith.constant 0 : i32
        %dma_wait3A_293 = tpu.memref_slice %arg8[%dma_wait3A_291, %dma_wait3A_292] : memref<8x128xi32, #tpu.memory_space<vmem>> -> memref<1x128xi32, #tpu.memory_space<vmem>>
        %dma_wait3A_294 = tpu.memref_squeeze %dma_wait3A_293 : memref<1x128xi32, #tpu.memory_space<vmem>> -> memref<128xi32, #tpu.memory_space<vmem>>
        %dma_wait3A_295 = arith.constant 0 : i32
        %dma_wait3A_296 = arith.constant 0 : i32
        %dma_wait3A_297 = tpu.memref_slice %arg19[%dma_wait3A_295, %dma_wait3A_296] : memref<10240x64xf32, #tpu.memory_space<vmem_shared>> -> memref<10240x64xf32, #tpu.memory_space<vmem_shared>>
        tpu.wait_indirect_dma semaphore(%arg27 : memref<!tpu.dma_semaphore, #tpu.memory_space<semaphore_mem>>) src(%arg16 : memref<128x64xf32, #tpu.memory_space<vmem>>) dst(%dma_wait3A_297 : memref<10240x64xf32, #tpu.memory_space<vmem_shared>>)
        %dma_wait3A_298 = arith.constant 7 : i32
        %dma_wait3A_299 = arith.constant 0 : i32
        %dma_wait3A_300 = tpu.memref_slice %arg8[%dma_wait3A_298, %dma_wait3A_299] : memref<8x128xi32, #tpu.memory_space<vmem>> -> memref<1x128xi32, #tpu.memory_space<vmem>>
        %dma_wait3A_301 = tpu.memref_squeeze %dma_wait3A_300 : memref<1x128xi32, #tpu.memory_space<vmem>> -> memref<128xi32, #tpu.memory_space<vmem>>
        %dma_wait3A_302 = arith.constant 0 : i32
        %dma_wait3A_303 = arith.constant 0 : i32
        %dma_wait3A_304 = tpu.memref_slice %arg19[%dma_wait3A_302, %dma_wait3A_303] : memref<10240x64xf32, #tpu.memory_space<vmem_shared>> -> memref<10240x64xf32, #tpu.memory_space<vmem_shared>>
        tpu.wait_indirect_dma semaphore(%arg28 : memref<!tpu.dma_semaphore, #tpu.memory_space<semaphore_mem>>) src(%arg17 : memref<128x64xf32, #tpu.memory_space<vmem>>) dst(%dma_wait3A_304 : memref<10240x64xf32, #tpu.memory_space<vmem_shared>>)
      }
      %scan3A_25 = arith.constant 20 : i32
      %barrier3A_26 = arith.constant 0 : index
      tpu.barrier barrier_id(%barrier3A_26)
      %scan3A_27 = arith.constant 0 : i32
      %scan3A_28 = arith.constant 0 : i32
      %scan3A_29 = arith.constant 5 : i32
      %scan3A_30 = arith.addi %scan3A_28, %scan3A_29 : i32
      %scan3A_31 = arith.constant 1 : i32
      scf.for %scan3A_34 = %scan3A_28 to %scan3A_30 step %scan3A_31  : i32 {
        %mul3A_35 = arith.constant 128 : i32
        %mul3A_36 = arith.muli %scan3A_34, %mul3A_35 : i32
        %add3A = arith.addi %mul3A_0, %mul3A_36 : i32
        "tpu.region"() ({
          %run_scoped3A = tpu.sem_alloc : memref<!tpu.dma_semaphore, #tpu.memory_space<semaphore_mem>>
          %dma_start3A = arith.constant 0 : i32
          %dma_start3A_49 = tpu.memref_slice %arg19[%add3A, %dma_start3A] : memref<10240x64xf32, #tpu.memory_space<vmem_shared>> -> memref<128x64xf32, #tpu.memory_space<vmem_shared>>
          %dma_start3A_50 = arith.constant 0 : i32
          %dma_start3A_51 = tpu.memref_slice %arg19[%add3A, %dma_start3A_50] : memref<10240x64xf32, #tpu.memory_space<vmem_shared>> -> memref<128x64xf32, #tpu.memory_space<vmem_shared>>
          tpu.enqueue_dma source(%dma_start3A_51 : memref<128x64xf32, #tpu.memory_space<vmem_shared>>) target(%arg14 : memref<128x64xf32, #tpu.memory_space<vmem>>) target_semaphore(%run_scoped3A : memref<!tpu.dma_semaphore, #tpu.memory_space<semaphore_mem>>)
          %dma_wait3A = arith.constant 0 : i32
          %dma_wait3A_52 = tpu.memref_slice %arg19[%add3A, %dma_wait3A] : memref<10240x64xf32, #tpu.memory_space<vmem_shared>> -> memref<128x64xf32, #tpu.memory_space<vmem_shared>>
          %dma_wait3A_53 = arith.constant 0 : i32
          %dma_wait3A_54 = tpu.memref_slice %arg19[%add3A, %dma_wait3A_53] : memref<10240x64xf32, #tpu.memory_space<vmem_shared>> -> memref<128x64xf32, #tpu.memory_space<vmem_shared>>
          tpu.wait_dma2 semaphore(%run_scoped3A : memref<!tpu.dma_semaphore, #tpu.memory_space<semaphore_mem>>) src(%dma_wait3A_54 : memref<128x64xf32, #tpu.memory_space<vmem_shared>>) dst(%arg14 : memref<128x64xf32, #tpu.memory_space<vmem>>)
          tpu.yield
        }) : () -> ()
        %eq3A = arith.constant 0 : i32
        %eq3A_37 = arith.cmpi eq, %scan3A_19, %eq3A : i32
        %convert_element_type3A = arith.extui %eq3A_37 : i1 to i32
        %cond3A = arith.constant 0 : i32
        %cond3A_38 = arith.cmpi ne, %convert_element_type3A, %cond3A : i32
        scf.if %cond3A_38 {
          %parallel_loop3A = arith.constant 0 : i32
          %parallel_loop3A_49 = arith.constant 128 : i32
          %parallel_loop3A_50 = arith.constant 1 : i32
          scf.for %parallel_loop3A_51 = %parallel_loop3A to %parallel_loop3A_49 step %parallel_loop3A_50  : i32 {
            %parallel_loop3A_52 = arith.index_cast %parallel_loop3A_51 : i32 to index
            %parallel_loop3A_53 = arith.constant 0 : index
            %parallel_loop3A_54 = tpu.vector_load %arg14[%parallel_loop3A_52, %parallel_loop3A_53] {strides = array<i32>} : memref<128x64xf32, #tpu.memory_space<vmem>>, vector<16xf32>,
            %parallel_loop3A_55 = arith.index_cast %parallel_loop3A_51 : i32 to index
            %parallel_loop3A_56 = arith.constant 16 : index
            %parallel_loop3A_57 = tpu.vector_load %arg14[%parallel_loop3A_55, %parallel_loop3A_56] {strides = array<i32>} : memref<128x64xf32, #tpu.memory_space<vmem>>, vector<16xf32>,
            %parallel_loop3A_58 = arith.index_cast %parallel_loop3A_51 : i32 to index
            %parallel_loop3A_59 = arith.constant 32 : index
            %parallel_loop3A_60 = tpu.vector_load %arg14[%parallel_loop3A_58, %parallel_loop3A_59] {strides = array<i32>} : memref<128x64xf32, #tpu.memory_space<vmem>>, vector<16xf32>,
            %parallel_loop3A_61 = arith.index_cast %parallel_loop3A_51 : i32 to index
            %parallel_loop3A_62 = arith.constant 48 : index
            %parallel_loop3A_63 = tpu.vector_load %arg14[%parallel_loop3A_61, %parallel_loop3A_62] {strides = array<i32>} : memref<128x64xf32, #tpu.memory_space<vmem>>, vector<16xf32>,
            %parallel_loop3A_64 = tpu.pack_subelements %parallel_loop3A_54, %parallel_loop3A_57 {pack_format = #tpu.pack_format<interleaved>, positions = array<i32: 0, 1>} : vector<16xf32>, vector<16xf32> -> vector<32xbf16>
            %parallel_loop3A_65 = arith.index_cast %parallel_loop3A_51 : i32 to index
            %parallel_loop3A_66 = arith.constant 0 : index
            %parallel_loop3A_67 = tpu.vector_load %arg10[%parallel_loop3A_65, %parallel_loop3A_66] {strides = array<i32>} : memref<128x64xbf16, #tpu.memory_space<vmem>>, vector<32xbf16>,
            tpu.vector_store %arg10[%parallel_loop3A_65, %parallel_loop3A_66], %parallel_loop3A_64 {strides = array<i32>} : memref<128x64xbf16, #tpu.memory_space<vmem>>, vector<32xbf16>,
            %parallel_loop3A_68 = tpu.pack_subelements %parallel_loop3A_60, %parallel_loop3A_63 {pack_format = #tpu.pack_format<interleaved>, positions = array<i32: 0, 1>} : vector<16xf32>, vector<16xf32> -> vector<32xbf16>
            %parallel_loop3A_69 = arith.index_cast %parallel_loop3A_51 : i32 to index
            %parallel_loop3A_70 = arith.constant 32 : index
            %parallel_loop3A_71 = tpu.vector_load %arg10[%parallel_loop3A_69, %parallel_loop3A_70] {strides = array<i32>} : memref<128x64xbf16, #tpu.memory_space<vmem>>, vector<32xbf16>,
            tpu.vector_store %arg10[%parallel_loop3A_69, %parallel_loop3A_70], %parallel_loop3A_68 {strides = array<i32>} : memref<128x64xbf16, #tpu.memory_space<vmem>>, vector<32xbf16>,
          } {sc.loop_unroll_factor = 2 : i64, sc.parallel_access}
          "tpu.region"() ({
            %run_scoped3A = tpu.sem_alloc : memref<!tpu.dma_semaphore, #tpu.memory_space<semaphore_mem>>
            %dma_start3A = arith.constant 0 : i32
            %dma_start3A_51 = tpu.memref_slice %arg18[%add3A, %dma_start3A] : memref<10240x64xbf16, #tpu.memory_space<vmem_shared>> -> memref<128x64xbf16, #tpu.memory_space<vmem_shared>>
            %dma_start3A_52 = arith.constant 0 : i32
            %dma_start3A_53 = tpu.memref_slice %arg18[%add3A, %dma_start3A_52] : memref<10240x64xbf16, #tpu.memory_space<vmem_shared>> -> memref<128x64xbf16, #tpu.memory_space<vmem_shared>>
            tpu.enqueue_dma source(%arg10 : memref<128x64xbf16, #tpu.memory_space<vmem>>) target(%dma_start3A_53 : memref<128x64xbf16, #tpu.memory_space<vmem_shared>>) target_semaphore(%run_scoped3A : memref<!tpu.dma_semaphore, #tpu.memory_space<semaphore_mem>>)
            %dma_wait3A = arith.constant 0 : i32
            %dma_wait3A_54 = tpu.memref_slice %arg18[%add3A, %dma_wait3A] : memref<10240x64xbf16, #tpu.memory_space<vmem_shared>> -> memref<128x64xbf16, #tpu.memory_space<vmem_shared>>
            %dma_wait3A_55 = arith.constant 0 : i32
            %dma_wait3A_56 = tpu.memref_slice %arg18[%add3A, %dma_wait3A_55] : memref<10240x64xbf16, #tpu.memory_space<vmem_shared>> -> memref<128x64xbf16, #tpu.memory_space<vmem_shared>>
            tpu.wait_dma2 semaphore(%run_scoped3A : memref<!tpu.dma_semaphore, #tpu.memory_space<semaphore_mem>>) src(%arg10 : memref<128x64xbf16, #tpu.memory_space<vmem>>) dst(%dma_wait3A_56 : memref<128x64xbf16, #tpu.memory_space<vmem_shared>>)
            tpu.yield
          }) : () -> ()
        } else {
        }
        %eq3A_39 = arith.constant 1 : i32
        %eq3A_40 = arith.cmpi eq, %scan3A_19, %eq3A_39 : i32
        %convert_element_type3A_41 = arith.extui %eq3A_40 : i1 to i32
        %cond3A_42 = arith.constant 0 : i32
        %cond3A_43 = arith.cmpi ne, %convert_element_type3A_41, %cond3A_42 : i32
        scf.if %cond3A_43 {
          "tpu.region"() ({
            %run_scoped3A = tpu.sem_alloc : memref<!tpu.dma_semaphore, #tpu.memory_space<semaphore_mem>>
            %dma_start3A = arith.constant 0 : i32
            %dma_start3A_51 = tpu.memref_slice %arg18[%add3A, %dma_start3A] : memref<10240x64xbf16, #tpu.memory_space<vmem_shared>> -> memref<128x64xbf16, #tpu.memory_space<vmem_shared>>
            %dma_start3A_52 = arith.constant 0 : i32
            %dma_start3A_53 = tpu.memref_slice %arg18[%add3A, %dma_start3A_52] : memref<10240x64xbf16, #tpu.memory_space<vmem_shared>> -> memref<128x64xbf16, #tpu.memory_space<vmem_shared>>
            tpu.enqueue_dma source(%dma_start3A_53 : memref<128x64xbf16, #tpu.memory_space<vmem_shared>>) target(%arg11 : memref<128x64xbf16, #tpu.memory_space<vmem>>) target_semaphore(%run_scoped3A : memref<!tpu.dma_semaphore, #tpu.memory_space<semaphore_mem>>)
            %dma_wait3A = arith.constant 0 : i32
            %dma_wait3A_54 = tpu.memref_slice %arg18[%add3A, %dma_wait3A] : memref<10240x64xbf16, #tpu.memory_space<vmem_shared>> -> memref<128x64xbf16, #tpu.memory_space<vmem_shared>>
            %dma_wait3A_55 = arith.constant 0 : i32
            %dma_wait3A_56 = tpu.memref_slice %arg18[%add3A, %dma_wait3A_55] : memref<10240x64xbf16, #tpu.memory_space<vmem_shared>> -> memref<128x64xbf16, #tpu.memory_space<vmem_shared>>
            tpu.wait_dma2 semaphore(%run_scoped3A : memref<!tpu.dma_semaphore, #tpu.memory_space<semaphore_mem>>) src(%dma_wait3A_56 : memref<128x64xbf16, #tpu.memory_space<vmem_shared>>) dst(%arg11 : memref<128x64xbf16, #tpu.memory_space<vmem>>)
            tpu.yield
          }) : () -> ()
          %parallel_loop3A = arith.constant 0 : i32
          %parallel_loop3A_49 = arith.constant 128 : i32
          %parallel_loop3A_50 = arith.constant 1 : i32
          scf.for %parallel_loop3A_51 = %parallel_loop3A to %parallel_loop3A_49 step %parallel_loop3A_50  : i32 {
            %parallel_loop3A_52 = arith.index_cast %parallel_loop3A_51 : i32 to index
            %parallel_loop3A_53 = arith.constant 0 : index
            %parallel_loop3A_54 = tpu.vector_load %arg11[%parallel_loop3A_52, %parallel_loop3A_53] {strides = array<i32>} : memref<128x64xbf16, #tpu.memory_space<vmem>>, vector<32xbf16>,
            %parallel_loop3A_55 = tpu.unpack_subelements %parallel_loop3A_54, 0 {pack_format = #tpu.pack_format<interleaved>} : vector<32xbf16> -> vector<16xf32>
            %parallel_loop3A_56 = tpu.unpack_subelements %parallel_loop3A_54, 1 {pack_format = #tpu.pack_format<interleaved>} : vector<32xbf16> -> vector<16xf32>
            %parallel_loop3A_57 = arith.index_cast %parallel_loop3A_51 : i32 to index
            %parallel_loop3A_58 = arith.constant 32 : index
            %parallel_loop3A_59 = tpu.vector_load %arg11[%parallel_loop3A_57, %parallel_loop3A_58] {strides = array<i32>} : memref<128x64xbf16, #tpu.memory_space<vmem>>, vector<32xbf16>,
            %parallel_loop3A_60 = tpu.unpack_subelements %parallel_loop3A_59, 0 {pack_format = #tpu.pack_format<interleaved>} : vector<32xbf16> -> vector<16xf32>
            %parallel_loop3A_61 = tpu.unpack_subelements %parallel_loop3A_59, 1 {pack_format = #tpu.pack_format<interleaved>} : vector<32xbf16> -> vector<16xf32>
            %parallel_loop3A_62 = arith.index_cast %parallel_loop3A_51 : i32 to index
            %parallel_loop3A_63 = arith.constant 0 : index
            %parallel_loop3A_64 = tpu.vector_load %arg14[%parallel_loop3A_62, %parallel_loop3A_63] {strides = array<i32>} : memref<128x64xf32, #tpu.memory_space<vmem>>, vector<16xf32>,
            %parallel_loop3A_65 = arith.subf %parallel_loop3A_64, %parallel_loop3A_55 : vector<16xf32>
            %parallel_loop3A_66 = arith.index_cast %parallel_loop3A_51 : i32 to index
            %parallel_loop3A_67 = arith.constant 16 : index
            %parallel_loop3A_68 = tpu.vector_load %arg14[%parallel_loop3A_66, %parallel_loop3A_67] {strides = array<i32>} : memref<128x64xf32, #tpu.memory_space<vmem>>, vector<16xf32>,
            %parallel_loop3A_69 = arith.subf %parallel_loop3A_68, %parallel_loop3A_56 : vector<16xf32>
            %parallel_loop3A_70 = arith.index_cast %parallel_loop3A_51 : i32 to index
            %parallel_loop3A_71 = arith.constant 32 : index
            %parallel_loop3A_72 = tpu.vector_load %arg14[%parallel_loop3A_70, %parallel_loop3A_71] {strides = array<i32>} : memref<128x64xf32, #tpu.memory_space<vmem>>, vector<16xf32>,
            %parallel_loop3A_73 = arith.subf %parallel_loop3A_72, %parallel_loop3A_60 : vector<16xf32>
            %parallel_loop3A_74 = arith.index_cast %parallel_loop3A_51 : i32 to index
            %parallel_loop3A_75 = arith.constant 48 : index
            %parallel_loop3A_76 = tpu.vector_load %arg14[%parallel_loop3A_74, %parallel_loop3A_75] {strides = array<i32>} : memref<128x64xf32, #tpu.memory_space<vmem>>, vector<16xf32>,
            %parallel_loop3A_77 = arith.subf %parallel_loop3A_76, %parallel_loop3A_61 : vector<16xf32>
            %parallel_loop3A_78 = tpu.pack_subelements %parallel_loop3A_65, %parallel_loop3A_69 {pack_format = #tpu.pack_format<interleaved>, positions = array<i32: 0, 1>} : vector<16xf32>, vector<16xf32> -> vector<32xbf16>
            %parallel_loop3A_79 = arith.index_cast %parallel_loop3A_51 : i32 to index
            %parallel_loop3A_80 = arith.constant 0 : index
            %parallel_loop3A_81 = tpu.vector_load %arg10[%parallel_loop3A_79, %parallel_loop3A_80] {strides = array<i32>} : memref<128x64xbf16, #tpu.memory_space<vmem>>, vector<32xbf16>,
            tpu.vector_store %arg10[%parallel_loop3A_79, %parallel_loop3A_80], %parallel_loop3A_78 {strides = array<i32>} : memref<128x64xbf16, #tpu.memory_space<vmem>>, vector<32xbf16>,
            %parallel_loop3A_82 = tpu.pack_subelements %parallel_loop3A_73, %parallel_loop3A_77 {pack_format = #tpu.pack_format<interleaved>, positions = array<i32: 0, 1>} : vector<16xf32>, vector<16xf32> -> vector<32xbf16>
            %parallel_loop3A_83 = arith.index_cast %parallel_loop3A_51 : i32 to index
            %parallel_loop3A_84 = arith.constant 32 : index
            %parallel_loop3A_85 = tpu.vector_load %arg10[%parallel_loop3A_83, %parallel_loop3A_84] {strides = array<i32>} : memref<128x64xbf16, #tpu.memory_space<vmem>>, vector<32xbf16>,
            tpu.vector_store %arg10[%parallel_loop3A_83, %parallel_loop3A_84], %parallel_loop3A_82 {strides = array<i32>} : memref<128x64xbf16, #tpu.memory_space<vmem>>, vector<32xbf16>,
          } {sc.loop_unroll_factor = 2 : i64, sc.parallel_access}
          "tpu.region"() ({
            %run_scoped3A = tpu.sem_alloc : memref<!tpu.dma_semaphore, #tpu.memory_space<semaphore_mem>>
            %dma_start3A = arith.constant 0 : i32
            %dma_start3A_51 = tpu.memref_slice %arg18[%add3A, %dma_start3A] : memref<10240x64xbf16, #tpu.memory_space<vmem_shared>> -> memref<128x64xbf16, #tpu.memory_space<vmem_shared>>
            %dma_start3A_52 = arith.constant 0 : i32
            %dma_start3A_53 = tpu.memref_slice %arg18[%add3A, %dma_start3A_52] : memref<10240x64xbf16, #tpu.memory_space<vmem_shared>> -> memref<128x64xbf16, #tpu.memory_space<vmem_shared>>
            tpu.enqueue_dma source(%arg10 : memref<128x64xbf16, #tpu.memory_space<vmem>>) target(%dma_start3A_53 : memref<128x64xbf16, #tpu.memory_space<vmem_shared>>) target_semaphore(%run_scoped3A : memref<!tpu.dma_semaphore, #tpu.memory_space<semaphore_mem>>)
            %dma_wait3A = arith.constant 0 : i32
            %dma_wait3A_54 = tpu.memref_slice %arg18[%add3A, %dma_wait3A] : memref<10240x64xbf16, #tpu.memory_space<vmem_shared>> -> memref<128x64xbf16, #tpu.memory_space<vmem_shared>>
            %dma_wait3A_55 = arith.constant 0 : i32
            %dma_wait3A_56 = tpu.memref_slice %arg18[%add3A, %dma_wait3A_55] : memref<10240x64xbf16, #tpu.memory_space<vmem_shared>> -> memref<128x64xbf16, #tpu.memory_space<vmem_shared>>
            tpu.wait_dma2 semaphore(%run_scoped3A : memref<!tpu.dma_semaphore, #tpu.memory_space<semaphore_mem>>) src(%arg10 : memref<128x64xbf16, #tpu.memory_space<vmem>>) dst(%dma_wait3A_56 : memref<128x64xbf16, #tpu.memory_space<vmem_shared>>)
            tpu.yield
          }) : () -> ()
        } else {
        }
        %eq3A_44 = arith.constant 2 : i32
        %eq3A_45 = arith.cmpi eq, %scan3A_19, %eq3A_44 : i32
        %convert_element_type3A_46 = arith.extui %eq3A_45 : i1 to i32
        %cond3A_47 = arith.constant 0 : i32
        %cond3A_48 = arith.cmpi ne, %convert_element_type3A_46, %cond3A_47 : i32
        scf.if %cond3A_48 {
          %parallel_loop3A = arith.constant 0 : i32
          %parallel_loop3A_49 = arith.constant 128 : i32
          %parallel_loop3A_50 = arith.constant 1 : i32
          %parallel_loop3A_51 = arith.constant 0.333333343 : f32
          scf.for %parallel_loop3A_52 = %parallel_loop3A to %parallel_loop3A_49 step %parallel_loop3A_50  : i32 {
            %parallel_loop3A_53 = arith.index_cast %parallel_loop3A_52 : i32 to index
            %parallel_loop3A_54 = arith.constant 0 : index
            %parallel_loop3A_55 = tpu.vector_load %arg14[%parallel_loop3A_53, %parallel_loop3A_54] {strides = array<i32>} : memref<128x64xf32, #tpu.memory_space<vmem>>, vector<16xf32>,
            %parallel_loop3A_56 = vector.broadcast %parallel_loop3A_51 : f32 to vector<16xf32>
            %parallel_loop3A_57 = arith.mulf %parallel_loop3A_55, %parallel_loop3A_56 : vector<16xf32>
            %parallel_loop3A_58 = arith.index_cast %parallel_loop3A_52 : i32 to index
            %parallel_loop3A_59 = arith.constant 0 : index
            %parallel_loop3A_60 = tpu.vector_load %arg14[%parallel_loop3A_58, %parallel_loop3A_59] {strides = array<i32>} : memref<128x64xf32, #tpu.memory_space<vmem>>, vector<16xf32>,
            tpu.vector_store %arg14[%parallel_loop3A_58, %parallel_loop3A_59], %parallel_loop3A_57 {strides = array<i32>} : memref<128x64xf32, #tpu.memory_space<vmem>>, vector<16xf32>,
            %parallel_loop3A_61 = arith.index_cast %parallel_loop3A_52 : i32 to index
            %parallel_loop3A_62 = arith.constant 16 : index
            %parallel_loop3A_63 = tpu.vector_load %arg14[%parallel_loop3A_61, %parallel_loop3A_62] {strides = array<i32>} : memref<128x64xf32, #tpu.memory_space<vmem>>, vector<16xf32>,
            %parallel_loop3A_64 = vector.broadcast %parallel_loop3A_51 : f32 to vector<16xf32>
            %parallel_loop3A_65 = arith.mulf %parallel_loop3A_63, %parallel_loop3A_64 : vector<16xf32>
            %parallel_loop3A_66 = arith.index_cast %parallel_loop3A_52 : i32 to index
            %parallel_loop3A_67 = arith.constant 16 : index
            %parallel_loop3A_68 = tpu.vector_load %arg14[%parallel_loop3A_66, %parallel_loop3A_67] {strides = array<i32>} : memref<128x64xf32, #tpu.memory_space<vmem>>, vector<16xf32>,
            tpu.vector_store %arg14[%parallel_loop3A_66, %parallel_loop3A_67], %parallel_loop3A_65 {strides = array<i32>} : memref<128x64xf32, #tpu.memory_space<vmem>>, vector<16xf32>,
            %parallel_loop3A_69 = arith.index_cast %parallel_loop3A_52 : i32 to index
            %parallel_loop3A_70 = arith.constant 32 : index
            %parallel_loop3A_71 = tpu.vector_load %arg14[%parallel_loop3A_69, %parallel_loop3A_70] {strides = array<i32>} : memref<128x64xf32, #tpu.memory_space<vmem>>, vector<16xf32>,
            %parallel_loop3A_72 = vector.broadcast %parallel_loop3A_51 : f32 to vector<16xf32>
            %parallel_loop3A_73 = arith.mulf %parallel_loop3A_71, %parallel_loop3A_72 : vector<16xf32>
            %parallel_loop3A_74 = arith.index_cast %parallel_loop3A_52 : i32 to index
            %parallel_loop3A_75 = arith.constant 32 : index
            %parallel_loop3A_76 = tpu.vector_load %arg14[%parallel_loop3A_74, %parallel_loop3A_75] {strides = array<i32>} : memref<128x64xf32, #tpu.memory_space<vmem>>, vector<16xf32>,
            tpu.vector_store %arg14[%parallel_loop3A_74, %parallel_loop3A_75], %parallel_loop3A_73 {strides = array<i32>} : memref<128x64xf32, #tpu.memory_space<vmem>>, vector<16xf32>,
            %parallel_loop3A_77 = arith.index_cast %parallel_loop3A_52 : i32 to index
            %parallel_loop3A_78 = arith.constant 48 : index
            %parallel_loop3A_79 = tpu.vector_load %arg14[%parallel_loop3A_77, %parallel_loop3A_78] {strides = array<i32>} : memref<128x64xf32, #tpu.memory_space<vmem>>, vector<16xf32>,
            %parallel_loop3A_80 = vector.broadcast %parallel_loop3A_51 : f32 to vector<16xf32>
            %parallel_loop3A_81 = arith.mulf %parallel_loop3A_79, %parallel_loop3A_80 : vector<16xf32>
            %parallel_loop3A_82 = arith.index_cast %parallel_loop3A_52 : i32 to index
            %parallel_loop3A_83 = arith.constant 48 : index
            %parallel_loop3A_84 = tpu.vector_load %arg14[%parallel_loop3A_82, %parallel_loop3A_83] {strides = array<i32>} : memref<128x64xf32, #tpu.memory_space<vmem>>, vector<16xf32>,
            tpu.vector_store %arg14[%parallel_loop3A_82, %parallel_loop3A_83], %parallel_loop3A_81 {strides = array<i32>} : memref<128x64xf32, #tpu.memory_space<vmem>>, vector<16xf32>,
          } {sc.loop_unroll_factor = 2 : i64, sc.parallel_access}
          "tpu.region"() ({
            %run_scoped3A = tpu.sem_alloc : memref<!tpu.dma_semaphore, #tpu.memory_space<semaphore_mem>>
            %dma_start3A = arith.constant 0 : i32
            %dma_start3A_52 = tpu.memref_slice %arg6[%arg0, %add3A, %dma_start3A] : memref<2x10240x64xf32, #tpu.memory_space<hbm>> -> memref<1x128x64xf32, #tpu.memory_space<hbm>>
            %dma_start3A_53 = tpu.memref_squeeze %dma_start3A_52 : memref<1x128x64xf32, #tpu.memory_space<hbm>> -> memref<128x64xf32, #tpu.memory_space<hbm>>
            %dma_start3A_54 = arith.constant 0 : i32
            %dma_start3A_55 = tpu.memref_slice %arg6[%arg0, %add3A, %dma_start3A_54] : memref<2x10240x64xf32, #tpu.memory_space<hbm>> -> memref<1x128x64xf32, #tpu.memory_space<hbm>>
            %dma_start3A_56 = tpu.memref_squeeze %dma_start3A_55 : memref<1x128x64xf32, #tpu.memory_space<hbm>> -> memref<128x64xf32, #tpu.memory_space<hbm>>
            tpu.enqueue_dma source(%arg14 : memref<128x64xf32, #tpu.memory_space<vmem>>) target(%dma_start3A_56 : memref<128x64xf32, #tpu.memory_space<hbm>>) target_semaphore(%run_scoped3A : memref<!tpu.dma_semaphore, #tpu.memory_space<semaphore_mem>>)
            %dma_wait3A = arith.constant 0 : i32
            %dma_wait3A_57 = tpu.memref_slice %arg6[%arg0, %add3A, %dma_wait3A] : memref<2x10240x64xf32, #tpu.memory_space<hbm>> -> memref<1x128x64xf32, #tpu.memory_space<hbm>>
            %dma_wait3A_58 = tpu.memref_squeeze %dma_wait3A_57 : memref<1x128x64xf32, #tpu.memory_space<hbm>> -> memref<128x64xf32, #tpu.memory_space<hbm>>
            %dma_wait3A_59 = arith.constant 0 : i32
            %dma_wait3A_60 = tpu.memref_slice %arg6[%arg0, %add3A, %dma_wait3A_59] : memref<2x10240x64xf32, #tpu.memory_space<hbm>> -> memref<1x128x64xf32, #tpu.memory_space<hbm>>
            %dma_wait3A_61 = tpu.memref_squeeze %dma_wait3A_60 : memref<1x128x64xf32, #tpu.memory_space<hbm>> -> memref<128x64xf32, #tpu.memory_space<hbm>>
            tpu.wait_dma2 semaphore(%run_scoped3A : memref<!tpu.dma_semaphore, #tpu.memory_space<semaphore_mem>>) src(%arg14 : memref<128x64xf32, #tpu.memory_space<vmem>>) dst(%dma_wait3A_61 : memref<128x64xf32, #tpu.memory_space<hbm>>)
            tpu.yield
          }) : () -> ()
        } else {
        }
      }
      %scan3A_32 = arith.constant 5 : i32
      %barrier3A_33 = arith.constant 0 : index
      tpu.barrier barrier_id(%barrier3A_33)
    }
    %scan3A_18 = arith.constant 3 : i32
    return
  }
}

</mosaic_0001>

<sc_bundles>
// kernel: _run.3.cloned.1.call-start
scs
__scs_entry_jumppad:
0x0: {  	(pc) =	sbr.rel $0x88, $3  }
0x1: {  	(tag) =	ssettag $0x0;
	lr =	simm.s32 $0x1  }
0x2: {  	[smem:$0x3F9D] =	sst lr;
	_ =	strace $0xD0000000  }
0x3: {  	_ = 	snop  }
0x4: {  	_ = 	snop  }
0x5: {  	_ = 	snop  }
0x6: {  	_ = 	snop  }
0x7: {  	_ = 	snop  }
__scs_overlays_trampoline_lowered:
0x8: {  	[smem:$0x3FAC] =	sst s0  }
0x9: {  	[smem:$0x3FAD] =	sst s1  }
0xa: {  	[smem:$0x3FAE] =	sst s2  }
0xb: {  	[smem:$0x3FAF] =	sst s3  }
0xc: {  	[smem:$0x3FB0] =	sst s4  }
0xd: {  	[smem:$0x3FB1] =	sst s5  }
0xe: {  	[smem:$0x3FB2] =	sst s6  }
0xf: {  	[smem:$0x3FB3] =	sst s7  }
0x10: {  	[smem:$0x3FB4] =	sst s8  }
0x11: {  	[smem:$0x3FB5] =	sst s9;
	s0 =	simm.s32 @!p0 $0x0  }
0x12: {  	s1 =	sld [smem:$0x3F9B];
	s0 =	simm.s32 @p0 $0x1  }
0x13: {  	[smem:$0x3FB6] =	sst s0;
	s0 =	simm.s32 @!p1 $0x0  }
0x14: {  	s2 =	sld [smem:$0x3F9A];
	s0 =	simm.s32 @p1 $0x1  }
0x15: {  	[smem:$0x3FB7] =	sst s0;
	s0 =	simm.s32 @!p2 $0x0  }
0x16: {  	s3 =	sld [smem:$0x3FDB];
	s0 =	simm.s32 @p2 $0x1  }
0x17: {  	s4 =	simm.s32 $0x1BF5;
	[smem:$0x3FB9] =	sst s0  }
0x18: {  	s0 =	sld [smem:$0x3F9C];
	_ =	swait.ge [sflag:s4], $0x0  }
0x19: {  	s7 =	sld [smem:$0x3F9D]  }
0x1a: {  	s8 =	sadd.s32 $0xFFFFE003, lr  }
0x1b: {  	s9 =	sadd.s32 $0xFFFFFEF7, lr;
	s5 =	simm.s32 $0xFFFFFFFF;
	p2 =	slt.u32 s8, $0xFFFFF086  }
0x1c: {  	p1 =	slt.u32 s9, $0xF7A;
	s5 =	simm.s32 @!p2 $0x0  }
0x1d: {  	s5 =	simm.s32 @p1 $0x1;
	p0 =	seq.s32 s7, s2  }
0x1e: {  	s7 =	smul.u32 @!p0 $0xF7A, s2;
	p2 =	seq.s32 @!p0 s5, $0x0  }
0x1f: {  	s9 =	smul.u32 $0xF7A, s1;
	s8 =	simm.s32 @!p0 $0x1BF5;
	p2 =	por !p2, p0  }
0x20: {  	[sflag:s8] =	ssyncset.s32 @!p0 $0xFFFFF086;
	s6 =	sadd.s32 @!p0 s3, s7;
	s7 =	simm.s32 @!p0 $0x108  }
0x21: {  	s3 =	sadd.s32 s3, s9;
	s6 =	sadd.s32 @!p0 $0x88, s6;
	s7 =	simm.s32 @p2 $0x1082  }
0x22: {  	[simem:s7], [sflag:s8] =	dma.local @!p0 [hbm:s6], $0xF7A  }
0x23: {  	s9 =	sor.u32 $0xD0000000, s2;
	s6 =	simm.s32 $0x108;
	_ =	swait.ge @!p0 [sflag:s8], $0x0  }
0x24: {  	s3 =	sadd.s32 $0x88, s3;
	s6 =	simm.s32 @!p1 $0x1082;
	[sflag:s4] =	ssyncset.s32 $0xFFFFF086  }
0x25: {  	[simem:s6], [sflag:s4] =	dma.local [hbm:s3], $0xF7A  }
0x26: {  	[smem:$0x3F9D] =	sst s1;
	(tag) =	ssettag s2;
	_ =	strace s9  }
0x27: {  	s1 =	sld [smem:$0x3FAD]  }
0x28: {  	s2 =	sld [smem:$0x3FAE]  }
0x29: {  	s4 =	sld [smem:$0x3FB0]  }
0x2a: {  	p0 =	seq.s32 s5, $0x0;
	s5 =	sld [smem:$0x3FB1]  }
0x2b: {  	s6 =	sld [smem:$0x3FB2]  }
0x2c: {  	s7 =	sld [smem:$0x3FB3]  }
0x2d: {  	s3 =	simm.s32 $0x108;
	s8 =	sld [smem:$0x3FB4]  }
0x2e: {  	s3 =	simm.s32 @!p0 $0x1082;
	s9 =	sld [smem:$0x3FB5]  }
0x2f: {  	lr =	sadd.s32 s0, s3;
	s0 =	sld [smem:$0x3FAC]  }
0x30: {  	s3 =	sld [smem:$0x3FAF]  }
0x31: {  	[smem:$0x3FB8] =	sst s10  }
0x32: {  	s10 =	sld [smem:$0x3FB6];
	_ =	sdelay $0x3  }
0x33: {  	p0 =	seq.s32 s10, $0x1;
	s10 =	sld [smem:$0x3FB8];
	_ =	sdelay $0x3  }
0x34: {  	[smem:$0x3FB8] =	sst s10  }
0x35: {  	s10 =	sld [smem:$0x3FB7];
	_ =	sdelay $0x3  }
0x36: {  	p1 =	seq.s32 s10, $0x1;
	s10 =	sld [smem:$0x3FB8];
	_ =	sdelay $0x3  }
0x37: {  	[smem:$0x3FB8] =	sst s10  }
0x38: {  	s10 =	sld [smem:$0x3FB9]  }
0x39: {  	_ = 	snop;
	(pc) =	sbr.ind lr, $3  }
0x3a: {  	_ = 	snop  }
0x3b: {  	_ = 	snop  }
0x3c: {  	p2 =	seq.s32 s10, $0x1;
	s10 =	sld [smem:$0x3FB8]  }
0x3d: {  	_ =	shalt  }
0x3e: {  	_ =	shalt  }
0x3f: {  	_ =	shalt  }
0x40: {  	_ =	shalt  }
0x41: {  	_ =	shalt  }
0x42: {  	_ =	shalt  }
0x43: {  	_ =	shalt  }
0x44: {  	_ =	shalt  }
0x45: {  	_ =	shalt  }
0x46: {  	_ =	shalt  }
0x47: {  	_ =	shalt  }
0x48: {  	_ =	shalt  }
0x49: {  	_ =	shalt  }
0x4a: {  	_ =	shalt  }
0x4b: {  	_ =	shalt  }
0x4c: {  	_ =	shalt  }
0x4d: {  	_ =	shalt  }
0x4e: {  	_ =	shalt  }
0x4f: {  	_ =	shalt  }
0x50: {  	_ =	shalt  }
0x51: {  	_ =	shalt  }
0x52: {  	_ =	shalt  }
0x53: {  	_ =	shalt  }
0x54: {  	_ =	shalt  }
0x55: {  	_ =	shalt  }
0x56: {  	_ =	shalt  }
0x57: {  	_ =	shalt  }
0x58: {  	_ =	shalt  }
0x59: {  	_ =	shalt  }
0x5a: {  	_ =	shalt  }
0x5b: {  	_ =	shalt  }
0x5c: {  	_ =	shalt  }
0x5d: {  	_ =	shalt  }
0x5e: {  	_ =	shalt  }
0x5f: {  	_ =	shalt  }
0x60: {  	_ =	shalt  }
0x61: {  	_ =	shalt  }
0x62: {  	_ =	shalt  }
0x63: {  	_ =	shalt  }
0x64: {  	_ =	shalt  }
0x65: {  	_ =	shalt  }
0x66: {  	_ =	shalt  }
0x67: {  	_ =	shalt  }
0x68: {  	_ =	shalt  }
0x69: {  	_ =	shalt  }
0x6a: {  	_ =	shalt  }
0x6b: {  	_ =	shalt  }
0x6c: {  	_ =	shalt  }
0x6d: {  	_ =	shalt  }
0x6e: {  	_ =	shalt  }
0x6f: {  	_ =	shalt  }
0x70: {  	_ =	shalt  }
0x71: {  	_ =	shalt  }
0x72: {  	_ =	shalt  }
0x73: {  	_ =	shalt  }
0x74: {  	_ =	shalt  }
0x75: {  	_ =	shalt  }
0x76: {  	_ =	shalt  }
0x77: {  	_ =	shalt  }
0x78: {  	_ =	shalt  }
0x79: {  	_ =	shalt  }
0x7a: {  	_ =	shalt  }
0x7b: {  	_ =	shalt  }
0x7c: {  	_ =	shalt  }
0x7d: {  	_ =	shalt  }
0x7e: {  	_ =	shalt  }
0x7f: {  	_ =	shalt  }
0x80: {  	_ =	shalt  }
0x81: {  	_ =	shalt  }
0x82: {  	_ =	shalt  }
0x83: {  	_ =	shalt  }
0x84: {  	_ =	shalt  }
0x85: {  	_ =	shalt  }
0x86: {  	_ =	shalt  }
0x87: {  	_ =	shalt  }
.Lfunc_end0:
.L_simem_size_0:
called_computation_lowered:
.L_overlay_start_0:
0x88: {  	s2 =	sld [smem:$0x3FD9]  }
0x89: {  	s3 =	sld [smem:$0x3FFE];
	_ =	sdelay $0x1  }
0x8a: {  	s1 =	srdreg.scid  }
0x8b: {  	s0 =	sand.u32 $0x1, s1  }
0x8c: {  	s17 =	sshll.u32 s0, $0xA;
	s2 =	sadd.s32 s3, s2  }
0x8d: {  	s2 =	sadd.s32 s2, s17  }
0x8e: {  	[smem:$0x3FC4] =	sst s2  }
0x8f: {  	_ = 	snop  }
0x90: {  	s2 =	sld [smem:$0x3FC8]  }
0x91: {  	s18 =	sld [smem:$0x3FC7]  }
0x92: {  	s4 =	sld [smem:$0x3FC6]  }
0x93: {  	s5 =	sld [smem:$0x3FD0];
	(tm) =	ssettm $0x1  }
0x94: {  	s6 =	sld [smem:$0x3FFB];
	_ =	sdelay $0x3  }
0x95: {  	_ =	strace s6  }
0x96: {  	s6 =	sld [smem:$0x3FFC];
	_ =	sdelay $0x3  }
0x97: {  	_ =	strace s6  }
0x98: {  	s6 =	sld [smem:$0x3FFD];
	_ =	sdelay $0x3  }
0x99: {  	_ =	strace s6  }
0x9a: {  	_ =	strace $0x8FFFFFFF  }
0x9b: {  	s19 =	sld [smem:$0x3FDB];
	_ =	sdelay $0x1  }
0x9c: {  	s7 =	simm.s32 $_scs_section_size  }
0x9d: {  	s8 =	simm.s32 $_size__tile_overlayer_lowered;
	s9 =	simm.s32 $_tile_overlayer_lowered  }
0x9e: {  	s22 =	simm.s32 $0x1BFF;
	s21 =	sshll.u32 s9, $0x1;
	s6 =	sadd.s32 s7, s19  }
0x9f: {  	s10 =	simm.s32 $0x0;
	s20 =	sshll.u32 s8, $0x1;
	s8 =	sadd.s32 s21, s6  }
0xa0: {  	[timem:s10], [sflag:s22] =	dma.local [hbm:s8], s20  }
0xa1: {  	_ =	swait.ge [sflag:s22], s20  }
0xa2: {  	s7 =	ssub.s32 $0x0, s20;
	[sflag:s22] =	ssyncset.done $0x0  }
0xa3: {  	[sflag:s22] =	ssyncadd.s32 s7;
	_ =	sdelay $0x1  }
0xa4: {  	s23 =	simm.s32 $0x1B8B  }
0xa5: {  	_ =	swait.ge [sflag:s23], $0x1  }
0xa6: {  	[sflag:s23] =	ssyncset.done $0x0  }
0xa7: {  	s25 =	simm.s32 $0x1B8E;
	s24 =	sld [smem:$0x3FFE];
	[sflag:s23] =	ssyncadd.s32 $0xFFFFFFFF  }
0xa8: {  	s26 =	simm.s32 $execute0_lowered;
	[smem:$0x3FD2] =	sst s25  }
0xa9: {  	s8 =	sshll.u32 s26, $0x1;
	_ =	strace $0x80000046;
	[dreg:$0x1] =	wrdreg $0xFFFFFFFF  }
0xaa: {  	s28 =	simm.s32 $_size_execute0_lowered;
	s6 =	sadd.s32 s6, s8;
	[dreg:$0x0] =	wrdreg $0x0  }
0xab: {  	s8 =	sshll.u32 s28, $0x1;
	[dreg:$0x2] =	wrdreg s6  }
0xac: {  	[dreg:$0x3] =	wrdreg s8  }
0xad: {  	[dreg:$0x4] =	wrdreg $0xC0  }
0xae: {  	_ =	task [dreg:s10], $0x5FFFF  }
0xaf: {  	[dreg:$0x1] =	wrdreg $0xFFFFFFFF  }
0xb0: {  	[dreg:$0x0] =	wrdreg $0x60  }
0xb1: {  	[dreg:$0x2] =	wrdreg s5  }
0xb2: {  	[dreg:$0x3] =	wrdreg s2  }
0xb3: {  	[dreg:$0x4] =	wrdreg s18  }
0xb4: {  	[dreg:$0x5] =	wrdreg s4  }
0xb5: {  	[dreg:$0x6] =	wrdreg s24  }
0xb6: {  	[dreg:$0x7] =	wrdreg $0xCC000  }
0xb7: {  	[dreg:$0x8] =	wrdreg $0x11C000  }
0xb8: {  	[dreg:$0x9] =	wrdreg $0x9  }
0xb9: {  	_ =	task.clear_ibuf [dreg:s10], $0xAFFFF;
	_ =	strace $0x90000046  }
0xba: {  	s29 =	simm.s32 $0x9;
	_ =	strace $0x80000048  }
0xbb: {  	_ =	swait.ge [sflag:s29], $0x1  }
0xbc: {  	[sflag:s29] =	ssyncadd.s32 $0xFFFFFFFF  }
0xbd: {  	_ =	strace $0x90000048  }
0xbe: {  	_ =	sfence  }
0xbf: {  	s30 =	sld [smem:$0x0];
	_ =	sdelay $0x2  }
0xc0: {  	s31 =	sshll.u32 s1, $0xD;
	s1 =	sshrl.u32 s1, $0x2  }
0xc1: {  	s3 =	sand.u32 $0x4000, s31;
	s1 =	sadd.s32 s1, s30  }
0xc2: {  	s0 =	sor.u32 s3, s0;
	s1 =	sshll.u32 s1, $0x11  }
0xc3: {  	s0 =	sor.u32 s1, s0  }
0xc4: {  	s0 =	sadd.s32 $0x8F2B, s0  }
0xc5: {  	[sflag:s0] =	ssyncadd.remote.s32 $0x1  }
0xc6: {  	_ =	sfence.sel $0xFFFF  }
0xc7: {  	[dreg:$0x0] =	wrdreg $0xFFFFFFFF;
	(pc) =	sbr.abs _section_cstart, $3  }
0xc8: {  	[dreg:$0x1] =	wrdreg $0xFFFFFFFF  }
0xc9: {  	_ =	task.clear_ibuf [dreg:s10], $0x2FFFF;
	_ =	strace $0x9FFFFFFF  }
0xca: {  	(tm) =	ssettm $0x7FFFFFFF  }
0xcb: {  	_ =	shalt  }
tec
execute0_lowered:
.L_overlay_start_1:
0x0: {  	(tag) =	ssettag $0x1  }
0x1: {  	s0 =	rddreg [dreg:$0x1]  }
0x2: {  	s1 =	rddreg [dreg:$0x2]  }
0x3: {  	s4 =	rddreg [dreg:$0x3]  }
0x4: {  	s6 =	rddreg [dreg:$0x4]  }
0x5: {  	s2 =	rddreg [dreg:$0x5]  }
0x6: {  	s3 =	rddreg [dreg:$0x6];
	s5 =	simm.s32 $0x0  }
0x7: {  	s7 =	srdreg.scid;
	s10 =	stileid.u32;
	s17 =	simm.s32 $0x800  }
0x8: {  	s18 =	simm.s32 $0x100;
	s19 =	simm.s32 $0x180;
	s20 =	simm.s32 $0x480  }
0x9: {  	s21 =	simm.s32 $0x200;
	s22 =	simm.s32 $0x500;
	s23 =	simm.s32 $0x280  }
0xa: {  	s24 =	simm.s32 $0x580;
	[smem:$0x7FF] =	sst s5;
	s6 =	sadd.s32 $0x400, s6  }
0xb: {  	s25 =	simm.s32 $0x300;
	_ =	strace $0x80000047;
	[dreg:$0x15] =	wrdreg s6  }
0xc: {  	s26 =	simm.s32 $0x600;
	s28 =	simm.s32 $0x7;
	[dreg:$0xb] =	wrdreg s17  }
0xd: {  	s29 =	simm.s32 $0x5;
	s30 =	simm.s32 $0xAC00;
	[dreg:$0xc] =	wrdreg s18  }
0xe: {  	s31 =	simm.s32 $0x8;
	s9 =	smul.u32 $0xA00, s10;
	[dreg:$0xd] =	wrdreg s19  }
0xf: {  	s7 =	sand.u32 $0x1, s7;
	s11 =	smul.u32 $0x280, s10;
	[dreg:$0xe] =	wrdreg s20  }
0x10: {  	s14 =	smul.u32 $0xA000, s10;
	s10 =	simm.s32 $0xA;
	[dreg:$0xf] =	wrdreg s21  }
0x11: {  	s8 =	ssub.s32 $0x2, s7;
	s13 =	smul.u32 $0x2800, s7;
	[dreg:$0x10] =	wrdreg s22  }
0x12: {  	s15 =	smul.u32 $0xA0000, s7;
	s17 =	simm.s32 $0x1;
	[dreg:$0x11] =	wrdreg s23  }
0x13: {  	s18 =	simm.s32 $0x80;
	s19 =	simm.s32 $0x1C00;
	[dreg:$0x12] =	wrdreg s24  }
0x14: {  	s20 =	simm.s32 $0x2C00;
	s21 =	simm.s32 $0x2;
	[dreg:$0x13] =	wrdreg s25  }
0x15: {  	s22 =	simm.s32 $0x3C00;
	s23 =	simm.s32 $0x3;
	[dreg:$0x14] =	wrdreg s26  }
0x16: {  	s24 =	simm.s32 $0x6;
	s25 =	simm.s32 $0x4;
	[dreg:$0x16] =	wrdreg s11  }
0x17: {  	s26 =	simm.s32 $0x8C00;
	s7 =	simm.s32 $0x780;
	[dreg:$0x18] =	wrdreg s14  }
0x18: {  	s12 =	sshrl.u32 s8, $0x1;
	s4 =	sadd.s32 s9, s4;
	[dreg:$0x17] =	wrdreg s13  }
0x19: {  	s1 =	sadd.s32 s9, s1;
	s0 =	sadd.s32 s9, s0;
	[dreg:$0x8] =	wrdreg s4  }
.Ltmp0:
0x1a: {  	s14 =	simm.s32 $0xC00;
	[dreg:$0x19] =	wrdreg s15;
	(pc) =	sbr.rel .LBB2_1-.Ltmp0, $4  }
0x1b: {  	s11 =	simm.s32 $0x680;
	s6 =	ssub.s32 s8, s12;
	[dreg:$0x9] =	wrdreg s1  }
0x1c: {  	[dreg:$0xa] =	wrdreg s0;
	s12 =	simm.s32 $0x4C00;
	s15 =	simm.s32 $0x6C00  }
0x1d: {  	s1 =	simm.s32 $0x9;
	s0 =	simm.s32 $0x700;
	s16 =	smax.u32 s6, $0x1  }
0x1e: {  	v0 =	vimm.f32 $0.0e+00;
	s6 =	simm.s32 $0x0;
	[dreg:$0x1a] =	wrdreg s16;
	s16 =	simm.s32 $0x400  }
.LBB2_25:
0x1f: {  	s6 =	rddreg [dreg:$0x1b]  }
0x20: {  	s4 =	rddreg [dreg:$0x1a];
	s6 =	sadd.s32 $0x1, s6  }
0x21: {  	p0 =	sne.s32 s6, s4  }
.Ltmp1:
0x22: {  	_ = 	snop;
	(pc) =	sbr.rel @!p0 .LBB2_26-.Ltmp1, $2  }
0x23: {  	_ =	sdelay $0x2  }
0x24: {  	s10 =	simm.s32 $0xA  }
.LBB2_1:
0x25: {  	[dreg:$0x1b] =	wrdreg s6;
	s6 =	simm.s32 $0x100;
	s8 =	simm.s32 $0x0  }
.LBB2_2:
0x26: {  	p0 =	sne.s32 s6, $0x7F00;
	[tilespmem:s8+$0x6C30] =	vst v0;
	s9 =	smov.u32 s6;
	s6 =	sadd.s32 $0x100, s6  }
.Ltmp2:
0x27: {  	[tilespmem:s8+$0x6C20] =	vst v0;
	(pc) =	sbr.rel @p0 .LBB2_2-.Ltmp2, $3  }
0x28: {  	[tilespmem:s8+$0x6C00] =	vst v0  }
0x29: {  	[tilespmem:s8+$0x6C10] =	vst v0;
	_ =	sdelay $0x1  }
0x2a: {  	s8 =	sshra.s32 s9, $0x2  }
0x2b: {  	[tilespmem:s8+$0x6C30] =	vst v0  }
0x2c: {  	[tilespmem:s8+$0x6C20] =	vst v0  }
0x2d: {  	[tilespmem:s8+$0x6C00] =	vst v0  }
0x2e: {  	[tilespmem:s8+$0x6C10] =	vst v0;
	s8 =	simm.s32 $0x0;
	s4 =	rddreg [dreg:$0x0]  }
.LBB2_4:
0x2f: {  	s6 =	sshll.u32 s8, $0x7;
	s9 =	rddreg [dreg:$0x16]  }
0x30: {  	s13 =	rddreg [dreg:$0x17];
	s9 =	sadd.s32 s9, s6  }
0x31: {  	s6 =	sadd.s32 s13, s9  }
0x32: {  	s6 =	sshll.u32 s6, $0x3  }
0x33: {  	s13 =	simm.s32 $0x0;
	s6 =	sadd.s32 s4, s6  }
0x34: {  	[tilespmem:s12], [sflag:$0xA] =	stream.linear.gather [hbm4b:s6+s13], $0x2000, $0x38;
	[tilespmem:$0x1BC00] =	vst v63  }
0x35: {  	_ =	swait.ge [sflag:s10], $0x2000  }
0x36: {  	[sflag:s10] =	ssyncset.done $0x0  }
0x37: {  	[sflag:s10] =	ssyncadd.s32 $0xFFFFE000;
	s10 =	simm.s32 $0x4C20  }
0x38: {  	v1 =	vld [tilespmem:s10+$0x0]  }
0x39: {  	v2 =	vld [tilespmem:s10+$0xFFFFFFE0]  }
0x3a: {  	v3 =	vld [tilespmem:s10+$0x10]  }
0x3b: {  	v4 =	vld [tilespmem:s10+$0xFFFFFFF0];
	_ =	sdelay $0x3  }
0x3c: {  	s6 =	simm.s32 $0x0;
	v3 =	vpack.i.f32.bf16 v3, v1  }
0x3d: {  	s13 =	simm.s32 $0x80;
	v1 =	vpack.i.f32.bf16 v4, v2;
	[tilespmem:s6+$0xC10] =	vst v3  }
.LBB2_5:
0x3e: {  	p0 =	sne.s32 s13, $0x3F80  }
0x3f: {  	[tilespmem:s6+$0xC00] =	vst v1;
	s10 =	sadd.s32 $0x40, s10;
	s6 =	smov.u32 s13;
	s13 =	sadd.s32 $0x80, s13  }
0x40: {  	v1 =	vld [tilespmem:s10+$0x0]  }
0x41: {  	v2 =	vld [tilespmem:s10+$0xFFFFFFE0]  }
0x42: {  	v3 =	vld [tilespmem:s10+$0x10]  }
0x43: {  	v4 =	vld [tilespmem:s10+$0xFFFFFFF0]  }
.Ltmp3:
0x44: {  	(pc) =	sbr.rel @p0 .LBB2_5-.Ltmp3, $3  }
0x45: {  	_ =	sdelay $0x1  }
0x46: {  	s6 =	sshra.s32 s6, $0x2;
	v3 =	vpack.i.f32.bf16 v3, v1  }
0x47: {  	v1 =	vpack.i.f32.bf16 v4, v2;
	[tilespmem:s6+$0xC10] =	vst v3  }
0x48: {  	s9 =	sshll.u32 s9, $0x6  }
0x49: {  	s10 =	sshrl.u32 s9, $0x1  }
0x4a: {  	[tilespmem:s6+$0xC00] =	vst v1;
	s10 =	sadd.s32 s10, s2  }
0x4b: {  	[spmem:s10] =	stream.linear.scatter [tilespmem:s14], [sflag:$0xA], $0x1000, $0x38;
	[tilespmem:$0x1BC00] =	vst v63  }
0x4c: {  	s10 =	simm.s32 $0xA  }
0x4d: {  	s8 =	sadd.s32 $0x1, s8;
	_ =	swait.ge [sflag:s10], $0x1000  }
0x4e: {  	p0 =	sne.s32 s8, $0x5;
	[sflag:s10] =	ssyncset.done $0x0  }
.Ltmp4:
0x4f: {  	s13 =	sadd.s32 s9, s3;
	[sflag:s10] =	ssyncadd.s32 $0xFFFFF000;
	(pc) =	sbr.rel @p0 .LBB2_4-.Ltmp4, $4  }
0x50: {  	[spmem:s13] =	stream.linear.scatter [tilespmem:s15], [sflag:$0xA], $0x2000, $0x38;
	[tilespmem:$0x1BC00] =	vst v63  }
0x51: {  	_ =	swait.ge [sflag:s10], $0x2000  }
0x52: {  	[sflag:s10] =	ssyncset.done $0x0  }
0x53: {  	[sflag:s10] =	ssyncadd.s32 $0xFFFFE000  }
.Ltmp5:
0x54: {  	[bflag:$0x0] =	sbarrier.arrive $0xFFFF;
	s4 =	simm.s32 $0x0;
	(pc) =	sbr.rel .LBB2_8-.Ltmp5, $4  }
0x55: {  	s9 =	simm.s32 $0xFFFFFFFE;
	[dreg:$0x1c] =	wrdreg s4  }
0x56: {  	s10 =	simm.s32 $0xC20;
	[dreg:$0x1d] =	wrdreg s9  }
0x57: {  	s13 =	simm.s32 $0x4C40;
	[dreg:$0x1e] =	wrdreg s10  }
0x58: {  	[dreg:$0x1f] =	wrdreg s13;
	s13 =	simm.s32 $0x380  }
.LBB2_24:
0x59: {  	s4 =	rddreg [dreg:$0x1c];
	[bflag:$0x0] =	sbarrier.arrive $0xFFFF  }
0x5a: {  	s4 =	sadd.s32 $0x1, s4;
	s8 =	rddreg [dreg:$0x1d]  }
0x5b: {  	s9 =	rddreg [dreg:$0x1e];
	p0 =	sne.s32 s4, $0x3  }
.Ltmp6:
0x5c: {  	s10 =	rddreg [dreg:$0x1f];
	(pc) =	sbr.rel @!p0 .LBB2_25-.Ltmp6, $4  }
0x5d: {  	[dreg:$0x1c] =	wrdreg s4;
	s4 =	sadd.s32 $0x1, s8  }
0x5e: {  	[dreg:$0x1d] =	wrdreg s4;
	s4 =	sadd.s32 $0x20, s9  }
0x5f: {  	[dreg:$0x1e] =	wrdreg s4;
	s4 =	sadd.s32 $0x40, s10  }
0x60: {  	[dreg:$0x1f] =	wrdreg s4  }
.LBB2_8:
0x61: {  	s6 =	rddreg [dreg:$0xa]  }
0x62: {  	s8 =	rddreg [dreg:$0x9];
	s6 =	sadd.s32 $0x0, s6  }
0x63: {  	[tilespmem:s5], [sflag:$0x1] =	stream.linear.gather [hbm4b:s6+s5], $0x400, $0x38;
	[tilespmem:$0x1BC00] =	vst v63  }
0x64: {  	s9 =	rddreg [dreg:$0x8];
	s10 =	sadd.s32 $0x0, s8  }
0x65: {  	[tilespmem:s16], [sflag:$0x1] =	stream.linear.gather [hbm4b:s10+s5], $0x400, $0x38;
	[tilespmem:$0x1BC00] =	vst v63  }
0x66: {  	s4 =	rddreg [dreg:$0xb];
	s9 =	sadd.s32 $0x0, s9  }
0x67: {  	[tilespmem:s4], [sflag:$0x1] =	stream.linear.gather [hbm4b:s9+s5], $0x400, $0x38;
	[tilespmem:$0x1BC00] =	vst v63  }
0x68: {  	_ =	swait.ge [sflag:s17], $0x400  }
0x69: {  	[sflag:s17] =	ssyncset.done $0x0  }
0x6a: {  	[sflag:s17] =	ssyncadd.s32 $0xFFFFFC00  }
0x6b: {  	_ =	swait.ge [sflag:s17], $0x400  }
0x6c: {  	[sflag:s17] =	ssyncset.done $0x0  }
0x6d: {  	[sflag:s17] =	ssyncadd.s32 $0xFFFFFC00  }
0x6e: {  	_ =	swait.ge [sflag:s17], $0x400  }
0x6f: {  	[sflag:s17] =	ssyncset.done $0x0  }
0x70: {  	[sflag:s17] =	ssyncadd.s32 $0xFFFFFC00  }
0x71: {  	[tilespmem:s14], [sflag:$0x2] =	stream.indirect.gather [spmem:s2], $0x20, s5, s18, $0xb8;
	[tilespmem:$0x1BC00] =	vst v63  }
0x72: {  	_ = 	snop  }
0x73: {  	[tilespmem:s19], [sflag:$0x3] =	stream.indirect.gather [spmem:s2], $0x20, s18, s18, $0xb8;
	[tilespmem:$0x1BC00] =	vst v63  }
0x74: {  	s10 =	rddreg [dreg:$0xc]  }
0x75: {  	[tilespmem:s20], [sflag:$0x4] =	stream.indirect.gather [spmem:s2], $0x20, s10, s18, $0xb8;
	[tilespmem:$0x1BC00] =	vst v63  }
0x76: {  	_ =	swait.ge [sflag:s21], $0x1000  }
0x77: {  	[sflag:s21] =	ssyncset.done $0x0  }
0x78: {  	[sflag:s21] =	ssyncadd.s32 $0xFFFFF000  }
0x79: {  	[spmem:s3] =	stream.indirect.scatter.add.f32 [tilespmem:s12], [sflag:$0x6], $0x40, s16, s18, $0xb8;
	[tilespmem:$0x1BC00] =	vst v63  }
0x7a: {  	s4 =	rddreg [dreg:$0xd]  }
0x7b: {  	[tilespmem:s22], [sflag:$0x5] =	stream.indirect.gather [spmem:s2], $0x20, s4, s18, $0xb8;
	[tilespmem:$0x1BC00] =	vst v63  }
0x7c: {  	_ =	swait.ge [sflag:s23], $0x1000  }
0x7d: {  	[sflag:s23] =	ssyncset.done $0x0  }
0x7e: {  	s8 =	rddreg [dreg:$0xe];
	[sflag:s23] =	ssyncadd.s32 $0xFFFFF000  }
0x7f: {  	[spmem:s3] =	stream.indirect.scatter.add.f32 [tilespmem:s15], [sflag:$0x7], $0x40, s8, s18, $0xb8;
	[tilespmem:$0x1BC00] =	vst v63  }
0x80: {  	_ =	swait.ge [sflag:s24], $0x2000  }
0x81: {  	[sflag:s24] =	ssyncset.done $0x0  }
0x82: {  	s9 =	rddreg [dreg:$0xf];
	[sflag:s24] =	ssyncadd.s32 $0xFFFFE000  }
0x83: {  	[tilespmem:s14], [sflag:$0x2] =	stream.indirect.gather [spmem:s2], $0x20, s9, s18, $0xb8;
	[tilespmem:$0x1BC00] =	vst v63  }
0x84: {  	_ =	swait.ge [sflag:s25], $0x1000  }
0x85: {  	[sflag:s25] =	ssyncset.done $0x0  }
0x86: {  	s10 =	rddreg [dreg:$0x10];
	[sflag:s25] =	ssyncadd.s32 $0xFFFFF000  }
0x87: {  	[spmem:s3] =	stream.indirect.scatter.add.f32 [tilespmem:s26], [sflag:$0x8], $0x40, s10, s18, $0xb8;
	[tilespmem:$0x1BC00] =	vst v63  }
0x88: {  	_ =	swait.ge [sflag:s28], $0x2000  }
0x89: {  	[sflag:s28] =	ssyncset.done $0x0  }
0x8a: {  	s4 =	rddreg [dreg:$0x11];
	[sflag:s28] =	ssyncadd.s32 $0xFFFFE000  }
0x8b: {  	[tilespmem:s19], [sflag:$0x3] =	stream.indirect.gather [spmem:s2], $0x20, s4, s18, $0xb8;
	[tilespmem:$0x1BC00] =	vst v63  }
0x8c: {  	_ =	swait.ge [sflag:s29], $0x1000  }
0x8d: {  	[sflag:s29] =	ssyncset.done $0x0  }
0x8e: {  	s8 =	rddreg [dreg:$0x12];
	[sflag:s29] =	ssyncadd.s32 $0xFFFFF000  }
0x8f: {  	[spmem:s3] =	stream.indirect.scatter.add.f32 [tilespmem:s30], [sflag:$0x9], $0x40, s8, s18, $0xb8;
	[tilespmem:$0x1BC00] =	vst v63  }
0x90: {  	_ =	swait.ge [sflag:s31], $0x2000  }
0x91: {  	[sflag:s31] =	ssyncset.done $0x0  }
0x92: {  	s9 =	rddreg [dreg:$0x13];
	[sflag:s31] =	ssyncadd.s32 $0xFFFFE000  }
0x93: {  	[tilespmem:s20], [sflag:$0x4] =	stream.indirect.gather [spmem:s2], $0x20, s9, s18, $0xb8;
	[tilespmem:$0x1BC00] =	vst v63  }
0x94: {  	_ =	swait.ge [sflag:s21], $0x1000  }
0x95: {  	[sflag:s21] =	ssyncset.done $0x0  }
0x96: {  	s10 =	rddreg [dreg:$0x14];
	[sflag:s21] =	ssyncadd.s32 $0xFFFFF000  }
0x97: {  	[spmem:s3] =	stream.indirect.scatter.add.f32 [tilespmem:s12], [sflag:$0x6], $0x40, s10, s18, $0xb8;
	[tilespmem:$0x1BC00] =	vst v63  }
0x98: {  	_ =	swait.ge [sflag:s1], $0x2000  }
0x99: {  	[sflag:s1] =	ssyncset.done $0x0  }
0x9a: {  	[sflag:s1] =	ssyncadd.s32 $0xFFFFE000  }
0x9b: {  	[tilespmem:s22], [sflag:$0x5] =	stream.indirect.gather [spmem:s2], $0x20, s13, s18, $0xb8;
	[tilespmem:$0x1BC00] =	vst v63  }
0x9c: {  	_ =	swait.ge [sflag:s23], $0x1000  }
0x9d: {  	[sflag:s23] =	ssyncset.done $0x0  }
0x9e: {  	[sflag:s23] =	ssyncadd.s32 $0xFFFFF000  }
0x9f: {  	[spmem:s3] =	stream.indirect.scatter.add.f32 [tilespmem:s15], [sflag:$0x7], $0x40, s11, s18, $0xb8;
	[tilespmem:$0x1BC00] =	vst v63  }
0xa0: {  	_ =	swait.ge [sflag:s25], $0x1000  }
0xa1: {  	[sflag:s25] =	ssyncset.done $0x0  }
0xa2: {  	[sflag:s25] =	ssyncadd.s32 $0xFFFFF000  }
0xa3: {  	[spmem:s3] =	stream.indirect.scatter.add.f32 [tilespmem:s26], [sflag:$0x8], $0x40, s0, s18, $0xb8;
	[tilespmem:$0x1BC00] =	vst v63  }
0xa4: {  	_ =	swait.ge [sflag:s29], $0x1000  }
0xa5: {  	[sflag:s29] =	ssyncset.done $0x0  }
0xa6: {  	[sflag:s29] =	ssyncadd.s32 $0xFFFFF000  }
0xa7: {  	[spmem:s3] =	stream.indirect.scatter.add.f32 [tilespmem:s30], [sflag:$0x9], $0x40, s7, s18, $0xb8;
	[tilespmem:$0x1BC00] =	vst v63  }
0xa8: {  	_ =	swait.ge [sflag:s24], $0x2000  }
0xa9: {  	[sflag:s24] =	ssyncset.done $0x0  }
0xaa: {  	[sflag:s24] =	ssyncadd.s32 $0xFFFFE000  }
0xab: {  	_ =	swait.ge [sflag:s28], $0x2000  }
0xac: {  	[sflag:s28] =	ssyncset.done $0x0  }
0xad: {  	[sflag:s28] =	ssyncadd.s32 $0xFFFFE000  }
0xae: {  	_ =	swait.ge [sflag:s31], $0x2000  }
0xaf: {  	[sflag:s31] =	ssyncset.done $0x0  }
0xb0: {  	[sflag:s31] =	ssyncadd.s32 $0xFFFFE000  }
0xb1: {  	s6 =	simm.s32 $0x100;
	_ =	swait.ge [sflag:s1], $0x2000  }
0xb2: {  	s10 =	simm.s32 $0x80;
	s8 =	rddreg [dreg:$0xa];
	[sflag:s1] =	ssyncset.done $0x0  }
.LBB2_9:
0xb3: {  	[sflag:s1] =	ssyncadd.s32 $0xFFFFE000;
	s13 =	rddreg [dreg:$0x9];
	s8 =	sadd.s32 s10, s8  }
0xb4: {  	[tilespmem:s5], [sflag:$0x1] =	stream.linear.gather [hbm4b:s8+s5], $0x400, $0x38;
	[tilespmem:$0x1BC00] =	vst v63  }
0xb5: {  	s4 =	rddreg [dreg:$0x8];
	s8 =	sadd.s32 s10, s13  }
0xb6: {  	[tilespmem:s16], [sflag:$0x1] =	stream.linear.gather [hbm4b:s8+s5], $0x400, $0x38;
	[tilespmem:$0x1BC00] =	vst v63  }
0xb7: {  	s13 =	rddreg [dreg:$0xb];
	s4 =	sadd.s32 s10, s4  }
0xb8: {  	[tilespmem:s13], [sflag:$0x1] =	stream.linear.gather [hbm4b:s4+s5], $0x400, $0x38;
	[tilespmem:$0x1BC00] =	vst v63  }
0xb9: {  	_ =	swait.ge [sflag:s17], $0x400  }
0xba: {  	[sflag:s17] =	ssyncset.done $0x0  }
0xbb: {  	[sflag:s17] =	ssyncadd.s32 $0xFFFFFC00  }
0xbc: {  	_ =	swait.ge [sflag:s17], $0x400  }
0xbd: {  	[sflag:s17] =	ssyncset.done $0x0  }
0xbe: {  	[sflag:s17] =	ssyncadd.s32 $0xFFFFFC00  }
0xbf: {  	_ =	swait.ge [sflag:s17], $0x400  }
0xc0: {  	[sflag:s17] =	ssyncset.done $0x0  }
0xc1: {  	[sflag:s17] =	ssyncadd.s32 $0xFFFFFC00  }
0xc2: {  	[tilespmem:s14], [sflag:$0x2] =	stream.indirect.gather [spmem:s2], $0x20, s5, s18, $0xb8;
	[tilespmem:$0x1BC00] =	vst v63  }
0xc3: {  	s9 =	smov.u32 s6  }
0xc4: {  	[tilespmem:s19], [sflag:$0x3] =	stream.indirect.gather [spmem:s2], $0x20, s18, s18, $0xb8;
	[tilespmem:$0x1BC00] =	vst v63  }
0xc5: {  	s10 =	smov.u32 s9;
	s9 =	rddreg [dreg:$0xc]  }
0xc6: {  	[tilespmem:s20], [sflag:$0x4] =	stream.indirect.gather [spmem:s2], $0x20, s9, s18, $0xb8;
	[tilespmem:$0x1BC00] =	vst v63  }
0xc7: {  	_ =	swait.ge [sflag:s21], $0x1000  }
0xc8: {  	[sflag:s21] =	ssyncset.done $0x0  }
0xc9: {  	[sflag:s21] =	ssyncadd.s32 $0xFFFFF000  }
0xca: {  	[spmem:s3] =	stream.indirect.scatter.add.f32 [tilespmem:s12], [sflag:$0x6], $0x40, s16, s18, $0xb8;
	[tilespmem:$0x1BC00] =	vst v63  }
0xcb: {  	s8 =	rddreg [dreg:$0xd]  }
0xcc: {  	[tilespmem:s22], [sflag:$0x5] =	stream.indirect.gather [spmem:s2], $0x20, s8, s18, $0xb8;
	[tilespmem:$0x1BC00] =	vst v63  }
0xcd: {  	_ =	swait.ge [sflag:s23], $0x1000  }
0xce: {  	[sflag:s23] =	ssyncset.done $0x0  }
0xcf: {  	s9 =	rddreg [dreg:$0xe];
	[sflag:s23] =	ssyncadd.s32 $0xFFFFF000  }
0xd0: {  	[spmem:s3] =	stream.indirect.scatter.add.f32 [tilespmem:s15], [sflag:$0x7], $0x40, s9, s18, $0xb8;
	[tilespmem:$0x1BC00] =	vst v63  }
0xd1: {  	_ =	swait.ge [sflag:s24], $0x2000  }
0xd2: {  	[sflag:s24] =	ssyncset.done $0x0  }
0xd3: {  	s8 =	rddreg [dreg:$0xf];
	[sflag:s24] =	ssyncadd.s32 $0xFFFFE000  }
0xd4: {  	[tilespmem:s14], [sflag:$0x2] =	stream.indirect.gather [spmem:s2], $0x20, s8, s18, $0xb8;
	[tilespmem:$0x1BC00] =	vst v63  }
0xd5: {  	_ =	swait.ge [sflag:s25], $0x1000  }
0xd6: {  	[sflag:s25] =	ssyncset.done $0x0  }
0xd7: {  	s9 =	rddreg [dreg:$0x10];
	[sflag:s25] =	ssyncadd.s32 $0xFFFFF000  }
0xd8: {  	[spmem:s3] =	stream.indirect.scatter.add.f32 [tilespmem:s26], [sflag:$0x8], $0x40, s9, s18, $0xb8;
	[tilespmem:$0x1BC00] =	vst v63  }
0xd9: {  	_ =	swait.ge [sflag:s28], $0x2000  }
0xda: {  	[sflag:s28] =	ssyncset.done $0x0  }
0xdb: {  	s8 =	rddreg [dreg:$0x11];
	[sflag:s28] =	ssyncadd.s32 $0xFFFFE000  }
0xdc: {  	[tilespmem:s19], [sflag:$0x3] =	stream.indirect.gather [spmem:s2], $0x20, s8, s18, $0xb8;
	[tilespmem:$0x1BC00] =	vst v63  }
0xdd: {  	_ =	swait.ge [sflag:s29], $0x1000  }
0xde: {  	[sflag:s29] =	ssyncset.done $0x0  }
0xdf: {  	s9 =	rddreg [dreg:$0x12];
	[sflag:s29] =	ssyncadd.s32 $0xFFFFF000  }
0xe0: {  	[spmem:s3] =	stream.indirect.scatter.add.f32 [tilespmem:s30], [sflag:$0x9], $0x40, s9, s18, $0xb8;
	[tilespmem:$0x1BC00] =	vst v63  }
0xe1: {  	_ =	swait.ge [sflag:s31], $0x2000  }
0xe2: {  	[sflag:s31] =	ssyncset.done $0x0  }
0xe3: {  	s8 =	rddreg [dreg:$0x13];
	[sflag:s31] =	ssyncadd.s32 $0xFFFFE000  }
0xe4: {  	[tilespmem:s20], [sflag:$0x4] =	stream.indirect.gather [spmem:s2], $0x20, s8, s18, $0xb8;
	[tilespmem:$0x1BC00] =	vst v63  }
0xe5: {  	_ =	swait.ge [sflag:s21], $0x1000  }
0xe6: {  	[sflag:s21] =	ssyncset.done $0x0  }
0xe7: {  	s9 =	rddreg [dreg:$0x14];
	[sflag:s21] =	ssyncadd.s32 $0xFFFFF000  }
0xe8: {  	[spmem:s3] =	stream.indirect.scatter.add.f32 [tilespmem:s12], [sflag:$0x6], $0x40, s9, s18, $0xb8;
	[tilespmem:$0x1BC00] =	vst v63  }
0xe9: {  	_ =	swait.ge [sflag:s1], $0x2000  }
0xea: {  	[sflag:s1] =	ssyncset.done $0x0  }
0xeb: {  	s13 =	simm.s32 $0x380;
	[sflag:s1] =	ssyncadd.s32 $0xFFFFE000  }
0xec: {  	[tilespmem:s22], [sflag:$0x5] =	stream.indirect.gather [spmem:s2], $0x20, s13, s18, $0xb8;
	[tilespmem:$0x1BC00] =	vst v63  }
0xed: {  	_ =	swait.ge [sflag:s23], $0x1000  }
0xee: {  	[sflag:s23] =	ssyncset.done $0x0  }
0xef: {  	[sflag:s23] =	ssyncadd.s32 $0xFFFFF000  }
0xf0: {  	[spmem:s3] =	stream.indirect.scatter.add.f32 [tilespmem:s15], [sflag:$0x7], $0x40, s11, s18, $0xb8;
	[tilespmem:$0x1BC00] =	vst v63  }
0xf1: {  	_ =	swait.ge [sflag:s25], $0x1000  }
0xf2: {  	[sflag:s25] =	ssyncset.done $0x0  }
0xf3: {  	[sflag:s25] =	ssyncadd.s32 $0xFFFFF000  }
0xf4: {  	[spmem:s3] =	stream.indirect.scatter.add.f32 [tilespmem:s26], [sflag:$0x8], $0x40, s0, s18, $0xb8;
	[tilespmem:$0x1BC00] =	vst v63  }
0xf5: {  	_ =	swait.ge [sflag:s29], $0x1000  }
0xf6: {  	[sflag:s29] =	ssyncset.done $0x0  }
0xf7: {  	[sflag:s29] =	ssyncadd.s32 $0xFFFFF000  }
0xf8: {  	[spmem:s3] =	stream.indirect.scatter.add.f32 [tilespmem:s30], [sflag:$0x9], $0x40, s7, s18, $0xb8;
	[tilespmem:$0x1BC00] =	vst v63  }
0xf9: {  	_ =	swait.ge [sflag:s24], $0x2000  }
0xfa: {  	[sflag:s24] =	ssyncset.done $0x0  }
0xfb: {  	[sflag:s24] =	ssyncadd.s32 $0xFFFFE000  }
0xfc: {  	_ =	swait.ge [sflag:s28], $0x2000  }
0xfd: {  	[sflag:s28] =	ssyncset.done $0x0  }
0xfe: {  	p0 =	sne.s32 s6, $0x980;
	[sflag:s28] =	ssyncadd.s32 $0xFFFFE000  }
.Ltmp7:
0xff: {  	_ =	swait.ge [sflag:s31], $0x2000;
	(pc) =	sbr.rel @p0 .LBB2_9-.Ltmp7, $4  }
0x100: {  	[sflag:s31] =	ssyncset.done $0x0  }
0x101: {  	[sflag:s31] =	ssyncadd.s32 $0xFFFFE000  }
0x102: {  	_ =	swait.ge [sflag:s1], $0x2000  }
0x103: {  	s6 =	sadd.s32 $0x80, s6;
	s8 =	rddreg [dreg:$0xa];
	[sflag:s1] =	ssyncset.done $0x0  }
0x104: {  	s4 =	rddreg [dreg:$0x9];
	[sflag:s1] =	ssyncadd.s32 $0xFFFFE000;
	s6 =	sadd.s32 s10, s8  }
0x105: {  	[tilespmem:s5], [sflag:$0x1] =	stream.linear.gather [hbm4b:s6+s5], $0x400, $0x38;
	[tilespmem:$0x1BC00] =	vst v63  }
0x106: {  	s8 =	rddreg [dreg:$0x8];
	s4 =	sadd.s32 s10, s4  }
0x107: {  	[tilespmem:s16], [sflag:$0x1] =	stream.linear.gather [hbm4b:s4+s5], $0x400, $0x38;
	[tilespmem:$0x1BC00] =	vst v63  }
0x108: {  	s9 =	rddreg [dreg:$0xb];
	s10 =	sadd.s32 s10, s8  }
0x109: {  	[tilespmem:s9], [sflag:$0x1] =	stream.linear.gather [hbm4b:s10+s5], $0x400, $0x38;
	[tilespmem:$0x1BC00] =	vst v63  }
0x10a: {  	_ =	swait.ge [sflag:s17], $0x400  }
0x10b: {  	[sflag:s17] =	ssyncset.done $0x0  }
0x10c: {  	[sflag:s17] =	ssyncadd.s32 $0xFFFFFC00  }
0x10d: {  	_ =	swait.ge [sflag:s17], $0x400  }
0x10e: {  	[sflag:s17] =	ssyncset.done $0x0  }
0x10f: {  	[sflag:s17] =	ssyncadd.s32 $0xFFFFFC00  }
0x110: {  	_ =	swait.ge [sflag:s17], $0x400  }
0x111: {  	[sflag:s17] =	ssyncset.done $0x0  }
0x112: {  	[sflag:s17] =	ssyncadd.s32 $0xFFFFFC00  }
0x113: {  	[tilespmem:s14], [sflag:$0x2] =	stream.indirect.gather [spmem:s2], $0x20, s5, s18, $0xb8;
	[tilespmem:$0x1BC00] =	vst v63  }
0x114: {  	_ = 	snop  }
0x115: {  	[tilespmem:s19], [sflag:$0x3] =	stream.indirect.gather [spmem:s2], $0x20, s18, s18, $0xb8;
	[tilespmem:$0x1BC00] =	vst v63  }
0x116: {  	s8 =	rddreg [dreg:$0xc]  }
0x117: {  	[tilespmem:s20], [sflag:$0x4] =	stream.indirect.gather [spmem:s2], $0x20, s8, s18, $0xb8;
	[tilespmem:$0x1BC00] =	vst v63  }
0x118: {  	_ =	swait.ge [sflag:s21], $0x1000  }
0x119: {  	[sflag:s21] =	ssyncset.done $0x0  }
0x11a: {  	[sflag:s21] =	ssyncadd.s32 $0xFFFFF000  }
0x11b: {  	[spmem:s3] =	stream.indirect.scatter.add.f32 [tilespmem:s12], [sflag:$0x6], $0x40, s16, s18, $0xb8;
	[tilespmem:$0x1BC00] =	vst v63  }
0x11c: {  	s9 =	rddreg [dreg:$0xd]  }
0x11d: {  	[tilespmem:s22], [sflag:$0x5] =	stream.indirect.gather [spmem:s2], $0x20, s9, s18, $0xb8;
	[tilespmem:$0x1BC00] =	vst v63  }
0x11e: {  	_ =	swait.ge [sflag:s23], $0x1000  }
0x11f: {  	[sflag:s23] =	ssyncset.done $0x0  }
0x120: {  	s10 =	rddreg [dreg:$0xe];
	[sflag:s23] =	ssyncadd.s32 $0xFFFFF000  }
0x121: {  	[spmem:s3] =	stream.indirect.scatter.add.f32 [tilespmem:s15], [sflag:$0x7], $0x40, s10, s18, $0xb8;
	[tilespmem:$0x1BC00] =	vst v63  }
0x122: {  	_ =	swait.ge [sflag:s24], $0x2000  }
0x123: {  	[sflag:s24] =	ssyncset.done $0x0  }
0x124: {  	s6 =	rddreg [dreg:$0xf];
	[sflag:s24] =	ssyncadd.s32 $0xFFFFE000  }
0x125: {  	[tilespmem:s14], [sflag:$0x2] =	stream.indirect.gather [spmem:s2], $0x20, s6, s18, $0xb8;
	[tilespmem:$0x1BC00] =	vst v63  }
0x126: {  	_ =	swait.ge [sflag:s25], $0x1000  }
0x127: {  	[sflag:s25] =	ssyncset.done $0x0  }
0x128: {  	s8 =	rddreg [dreg:$0x10];
	[sflag:s25] =	ssyncadd.s32 $0xFFFFF000  }
0x129: {  	[spmem:s3] =	stream.indirect.scatter.add.f32 [tilespmem:s26], [sflag:$0x8], $0x40, s8, s18, $0xb8;
	[tilespmem:$0x1BC00] =	vst v63  }
0x12a: {  	_ =	swait.ge [sflag:s28], $0x2000  }
0x12b: {  	[sflag:s28] =	ssyncset.done $0x0  }
0x12c: {  	s9 =	rddreg [dreg:$0x11];
	[sflag:s28] =	ssyncadd.s32 $0xFFFFE000  }
0x12d: {  	[tilespmem:s19], [sflag:$0x3] =	stream.indirect.gather [spmem:s2], $0x20, s9, s18, $0xb8;
	[tilespmem:$0x1BC00] =	vst v63  }
0x12e: {  	_ =	swait.ge [sflag:s29], $0x1000  }
0x12f: {  	[sflag:s29] =	ssyncset.done $0x0  }
0x130: {  	s10 =	rddreg [dreg:$0x12];
	[sflag:s29] =	ssyncadd.s32 $0xFFFFF000  }
0x131: {  	[spmem:s3] =	stream.indirect.scatter.add.f32 [tilespmem:s30], [sflag:$0x9], $0x40, s10, s18, $0xb8;
	[tilespmem:$0x1BC00] =	vst v63  }
0x132: {  	_ =	swait.ge [sflag:s31], $0x2000  }
0x133: {  	[sflag:s31] =	ssyncset.done $0x0  }
0x134: {  	s6 =	rddreg [dreg:$0x13];
	[sflag:s31] =	ssyncadd.s32 $0xFFFFE000  }
0x135: {  	[tilespmem:s20], [sflag:$0x4] =	stream.indirect.gather [spmem:s2], $0x20, s6, s18, $0xb8;
	[tilespmem:$0x1BC00] =	vst v63  }
0x136: {  	_ =	swait.ge [sflag:s21], $0x1000  }
0x137: {  	[sflag:s21] =	ssyncset.done $0x0  }
0x138: {  	s8 =	rddreg [dreg:$0x14];
	[sflag:s21] =	ssyncadd.s32 $0xFFFFF000  }
0x139: {  	[spmem:s3] =	stream.indirect.scatter.add.f32 [tilespmem:s12], [sflag:$0x6], $0x40, s8, s18, $0xb8;
	[tilespmem:$0x1BC00] =	vst v63  }
0x13a: {  	_ =	swait.ge [sflag:s1], $0x2000  }
0x13b: {  	[sflag:s1] =	ssyncset.done $0x0  }
0x13c: {  	[sflag:s1] =	ssyncadd.s32 $0xFFFFE000  }
0x13d: {  	[tilespmem:s22], [sflag:$0x5] =	stream.indirect.gather [spmem:s2], $0x20, s13, s18, $0xb8;
	[tilespmem:$0x1BC00] =	vst v63  }
0x13e: {  	_ =	swait.ge [sflag:s23], $0x1000  }
0x13f: {  	[sflag:s23] =	ssyncset.done $0x0  }
0x140: {  	[sflag:s23] =	ssyncadd.s32 $0xFFFFF000  }
0x141: {  	[spmem:s3] =	stream.indirect.scatter.add.f32 [tilespmem:s15], [sflag:$0x7], $0x40, s11, s18, $0xb8;
	[tilespmem:$0x1BC00] =	vst v63  }
0x142: {  	_ =	swait.ge [sflag:s25], $0x1000  }
0x143: {  	[sflag:s25] =	ssyncset.done $0x0  }
0x144: {  	[sflag:s25] =	ssyncadd.s32 $0xFFFFF000  }
0x145: {  	[spmem:s3] =	stream.indirect.scatter.add.f32 [tilespmem:s26], [sflag:$0x8], $0x40, s0, s18, $0xb8;
	[tilespmem:$0x1BC00] =	vst v63  }
0x146: {  	_ =	swait.ge [sflag:s29], $0x1000  }
0x147: {  	[sflag:s29] =	ssyncset.done $0x0  }
0x148: {  	[sflag:s29] =	ssyncadd.s32 $0xFFFFF000  }
0x149: {  	[spmem:s3] =	stream.indirect.scatter.add.f32 [tilespmem:s30], [sflag:$0x9], $0x40, s7, s18, $0xb8;
	[tilespmem:$0x1BC00] =	vst v63  }
0x14a: {  	_ =	swait.ge [sflag:s24], $0x2000  }
0x14b: {  	[sflag:s24] =	ssyncset.done $0x0  }
0x14c: {  	[sflag:s24] =	ssyncadd.s32 $0xFFFFE000  }
0x14d: {  	_ =	swait.ge [sflag:s28], $0x2000  }
0x14e: {  	[sflag:s28] =	ssyncset.done $0x0  }
0x14f: {  	[sflag:s28] =	ssyncadd.s32 $0xFFFFE000  }
0x150: {  	_ =	swait.ge [sflag:s31], $0x2000  }
0x151: {  	[sflag:s31] =	ssyncset.done $0x0  }
0x152: {  	[sflag:s31] =	ssyncadd.s32 $0xFFFFE000  }
0x153: {  	_ =	swait.ge [sflag:s1], $0x2000  }
.Ltmp8:
0x154: {  	[sflag:s1] =	ssyncset.done $0x0;
	(pc) =	sbr.rel .LBB2_11-.Ltmp8, $4  }
0x155: {  	[sflag:s1] =	ssyncadd.s32 $0xFFFFE000  }
0x156: {  	[bflag:$0x0] =	sbarrier.arrive $0xFFFF  }
0x157: {  	s10 =	simm.s32 $0x0;
	s8 =	simm.s32 $0xB;
	s9 =	rddreg [dreg:$0x1c]  }
0x158: {  	p0 =	seq.s32 s9, $0x2;
	p1 =	seq.s32 s9, $0x1;
	p2 =	sne.s32 s9, $0x0  }
.LBB2_19:
0x159: {  	v3 =	vpack.i.f32.bf16 v4, v3  }
0x15a: {  	v1 =	vpack.i.f32.bf16 v1, v6;
	[tilespmem:s9+$0xFFFFFFF0] =	vst v3  }
0x15b: {  	s4 =	sshrl.u32 s6, $0x1;
	[tilespmem:s9+$0xFFFFFFE0] =	vst v1;
	v1 =	vpack.i.f32.bf16 v5, v2  }
0x15c: {  	s8 =	simm.s32 $0xB;
	s4 =	sadd.s32 s4, s2;
	[tilespmem:s9+$0x0] =	vst v1  }
0x15d: {  	[spmem:s4] =	stream.linear.scatter [tilespmem:s14], [sflag:$0xB], $0x1000, $0x38;
	[tilespmem:$0x1BC00] =	vst v63  }
0x15e: {  	_ =	swait.ge [sflag:s8], $0x1000  }
0x15f: {  	[sflag:s8] =	ssyncset.done $0x0  }
0x160: {  	s13 =	simm.s32 $0x380;
	[sflag:s8] =	ssyncadd.s32 $0xFFFFF000  }
.LBB2_23:
0x161: {  	s10 =	sadd.s32 $0x1, s10  }
0x162: {  	p3 =	sne.s32 s10, $0x5  }
.Ltmp9:
0x163: {  	_ = 	snop;
	(pc) =	sbr.rel @!p3 .LBB2_24-.Ltmp9, $1  }
0x164: {  	_ =	sdelay $0x3  }
.LBB2_11:
0x165: {  	s4 =	sshll.u32 s10, $0xD;
	s6 =	rddreg [dreg:$0x18]  }
0x166: {  	s6 =	sadd.s32 s6, s4  }
.Ltmp10:
0x167: {  	s4 =	sadd.s32 s6, s3;
	(pc) =	sbr.rel @p0 .LBB2_12-.Ltmp10, $4  }
0x168: {  	[tilespmem:s12], [sflag:$0xB] =	stream.linear.gather [spmem:s4], $0x2000, $0x38;
	[tilespmem:$0x1BC00] =	vst v63  }
0x169: {  	_ =	swait.ge [sflag:s8], $0x2000  }
0x16a: {  	[sflag:s8] =	ssyncset.done $0x0  }
0x16b: {  	[sflag:s8] =	ssyncadd.s32 $0xFFFFE000  }
.Ltmp11:
0x16c: {  	(pc) =	sbr.rel @p1 .LBB2_20-.Ltmp11, $1  }
0x16d: {  	_ =	sdelay $0x3  }
.Ltmp12:
0x16e: {  	(pc) =	sbr.rel @p2 .LBB2_23-.Ltmp12, $1  }
0x16f: {  	_ =	sdelay $0x3  }
0x170: {  	s13 =	rddreg [dreg:$0x1f]  }
0x171: {  	v5 =	vld [tilespmem:s13+$0x20]  }
0x172: {  	v6 =	vld [tilespmem:s13+$0x30]  }
0x173: {  	s4 =	rddreg [dreg:$0x1d];
	v1 =	vld [tilespmem:s13+$0xFFFFFFD0]  }
0x174: {  	v3 =	vld [tilespmem:s13+$0xFFFFFFE0];
	s8 =	sadd.s32 $0x2, s4  }
0x175: {  	v4 =	vld [tilespmem:s13+$0xFFFFFFF0];
	p3 =	slt.u32 s8, $0x7E  }
.Ltmp13:
0x176: {  	v2 =	vld [tilespmem:s13+$0x0];
	(pc) =	sbr.rel @!p3 .LBB2_19-.Ltmp13, $4  }
0x177: {  	v7 =	vpack.i.f32.bf16 v6, v5;
	v6 =	vld [tilespmem:s13+$0xFFFFFFC0]  }
0x178: {  	v5 =	vld [tilespmem:s13+$0x10]  }
0x179: {  	s9 =	rddreg [dreg:$0x1e]  }
0x17a: {  	s13 =	sadd.s32 $0x80, s13;
	[tilespmem:s9+$0x10] =	vst v7  }
.LBB2_18:
0x17b: {  	v7 =	vld [tilespmem:s13+$0x20]  }
0x17c: {  	s8 =	sadd.s32 $0x2, s8;
	v3 =	vpack.i.f32.bf16 v4, v3;
	v8 =	vld [tilespmem:s13+$0x30]  }
0x17d: {  	v4 =	vpack.i.f32.bf16 v1, v6;
	p3 =	slt.u32 s8, $0x7E;
	v1 =	vld [tilespmem:s13+$0xFFFFFFD0];
	[tilespmem:s9+$0xFFFFFFF0] =	vst v3  }
.Ltmp14:
0x17e: {  	v3 =	vld [tilespmem:s13+$0xFFFFFFE0];
	[tilespmem:s9+$0xFFFFFFE0] =	vst v4;
	(pc) =	sbr.rel @p3 .LBB2_18-.Ltmp14, $4  }
0x17f: {  	v2 =	vpack.i.f32.bf16 v5, v2;
	v4 =	vld [tilespmem:s13+$0xFFFFFFF0]  }
0x180: {  	v6 =	vld [tilespmem:s13+$0xFFFFFFC0];
	[tilespmem:s9+$0x0] =	vst v2  }
0x181: {  	s9 =	sadd.s32 $0x40, s9;
	v2 =	vld [tilespmem:s13+$0x0];
	v7 =	vpack.i.f32.bf16 v8, v7  }
0x182: {  	v5 =	vld [tilespmem:s13+$0x10];
	[tilespmem:s9+$0x10] =	vst v7;
	s13 =	sadd.s32 $0x80, s13  }
.Ltmp15:
0x183: {  	_ = 	snop;
	(pc) =	sbr.rel .LBB2_19-.Ltmp15, $1  }
0x184: {  	_ =	sdelay $0x3  }
.LBB2_20:
0x185: {  	s4 =	sshrl.u32 s6, $0x1  }
0x186: {  	s4 =	sadd.s32 s4, s2  }
0x187: {  	[smem:$0x7FD] =	sst s4  }
0x188: {  	[tilespmem:s19], [sflag:$0xB] =	stream.linear.gather [spmem:s4], $0x1000, $0x38;
	[tilespmem:$0x1BC00] =	vst v63  }
0x189: {  	_ =	swait.ge [sflag:s8], $0x1000  }
0x18a: {  	[sflag:s8] =	ssyncset.done $0x0  }
0x18b: {  	s6 =	simm.s32 $0x4C40;
	[sflag:s8] =	ssyncadd.s32 $0xFFFFF000  }
0x18c: {  	s9 =	simm.s32 $0x1C20;
	v1 =	vld [tilespmem:s6+$0x20]  }
0x18d: {  	v2 =	vld [tilespmem:s9+$0x10]  }
0x18e: {  	v5 =	vld [tilespmem:s9+$0xFFFFFFE0]  }
0x18f: {  	v3 =	vld [tilespmem:s6+$0x30]  }
0x190: {  	v6 =	vld [tilespmem:s9+$0xFFFFFFF0]  }
0x191: {  	v7 =	vld [tilespmem:s6+$0xFFFFFFC0]  }
0x192: {  	v9 =	vld [tilespmem:s6+$0xFFFFFFD0]  }
0x193: {  	v4 =	vld [tilespmem:s6+$0xFFFFFFE0];
	v8 =	vunpack.i.u.bf16.f32 v2;
	v2 =	vunpack.i.l.bf16.f32 v2;
	v11 =	vunpack.i.u.bf16.f32 v5  }
0x194: {  	v12 =	vunpack.i.l.bf16.f32 v5;
	v5 =	vld [tilespmem:s9+$0x0];
	v10 =	vsub.f32 v1, v2;
	v8 =	vsub.f32 v3, v8  }
0x195: {  	v1 =	vld [tilespmem:s6+$0x0]  }
0x196: {  	s8 =	simm.s32 $0xC20;
	v2 =	vunpack.i.u.bf16.f32 v6;
	v3 =	vld [tilespmem:s6+$0x10];
	v10 =	vpack.i.f32.bf16 v8, v10  }
0x197: {  	s13 =	simm.s32 $0x0;
	v6 =	vunpack.i.l.bf16.f32 v6;
	v9 =	vsub.f32 v9, v11;
	v8 =	vsub.f32 v7, v12;
	v7 =	vld [tilespmem:s6+$0xFFFFFFF0];
	s6 =	simm.s32 $0x4CC0;
	[tilespmem:s8+$0x10] =	vst v10  }
.LBB2_21:
0x198: {  	v10 =	vld [tilespmem:s6+$0x20];
	v4 =	vsub.f32 v4, v6;
	s9 =	sadd.s32 $0x40, s9  }
0x199: {  	s13 =	sadd.s32 $0x2, s13;
	v6 =	vld [tilespmem:s9+$0x10];
	v8 =	vpack.i.f32.bf16 v9, v8  }
0x19a: {  	p3 =	slt.u32 s13, $0x7E;
	v9 =	vld [tilespmem:s6+$0x30];
	[tilespmem:s8+$0xFFFFFFE0] =	vst v8  }
0x19b: {  	v8 =	vld [tilespmem:s9+$0xFFFFFFF0];
	v11 =	vunpack.i.u.bf16.f32 v5;
	v5 =	vunpack.i.l.bf16.f32 v5  }
0x19c: {  	v12 =	vld [tilespmem:s9+$0xFFFFFFE0];
	v2 =	vsub.f32 v7, v2;
	v1 =	vsub.f32 v1, v5  }
0x19d: {  	v3 =	vsub.f32 v3, v11;
	v5 =	vld [tilespmem:s6+$0xFFFFFFC0]  }
0x19e: {  	v7 =	vld [tilespmem:s6+$0xFFFFFFD0];
	v11 =	vunpack.i.u.bf16.f32 v6;
	v6 =	vunpack.i.l.bf16.f32 v6;
	v2 =	vpack.i.f32.bf16 v2, v4  }
.Ltmp16:
0x19f: {  	v3 =	vpack.i.f32.bf16 v3, v1;
	v4 =	vld [tilespmem:s6+$0xFFFFFFE0];
	v10 =	vsub.f32 v10, v6;
	v9 =	vsub.f32 v9, v11;
	[tilespmem:s8+$0xFFFFFFF0] =	vst v2;
	(pc) =	sbr.rel @p3 .LBB2_21-.Ltmp16, $4  }
0x1a0: {  	v2 =	vunpack.i.u.bf16.f32 v8;
	v6 =	vunpack.i.l.bf16.f32 v8;
	v1 =	vld [tilespmem:s6+$0x0];
	[tilespmem:s8+$0x0] =	vst v3  }
0x1a1: {  	s8 =	sadd.s32 $0x40, s8;
	v11 =	vunpack.i.u.bf16.f32 v12;
	v8 =	vunpack.i.l.bf16.f32 v12;
	v3 =	vld [tilespmem:s6+$0x10];
	v9 =	vpack.i.f32.bf16 v9, v10  }
0x1a2: {  	v8 =	vsub.f32 v5, v8;
	v5 =	vld [tilespmem:s9+$0x0];
	[tilespmem:s8+$0x10] =	vst v9  }
0x1a3: {  	v9 =	vsub.f32 v7, v11;
	v7 =	vld [tilespmem:s6+$0xFFFFFFF0];
	s6 =	sadd.s32 $0x80, s6  }
0x1a4: {  	_ =	sdelay $0x2  }
0x1a5: {  	v4 =	vsub.f32 v4, v6  }
0x1a6: {  	v61 =	vunpack.i.u.bf16.f32 v5;
	v62 =	vunpack.i.l.bf16.f32 v5;
	v2 =	vsub.f32 v7, v2  }
0x1a7: {  	v63 =	vpack.i.f32.bf16 v9, v8;
	v1 =	vsub.f32 v1, v62;
	v3 =	vsub.f32 v3, v61  }
0x1a8: {  	[tilespmem:s8+$0xFFFFFFE0] =	vst v63;
	v2 =	vpack.i.f32.bf16 v2, v4  }
0x1a9: {  	v1 =	vpack.i.f32.bf16 v3, v1;
	[tilespmem:s8+$0xFFFFFFF0] =	vst v2  }
0x1aa: {  	[tilespmem:s8+$0x0] =	vst v1  }
0x1ab: {  	s4 =	sld [smem:$0x7FD];
	_ =	sdelay $0x1  }
.Ltmp17:
0x1ac: {  	s8 =	simm.s32 $0xB;
	(pc) =	sbr.rel .LBB2_23-.Ltmp17, $4  }
0x1ad: {  	[spmem:s4] =	stream.linear.scatter [tilespmem:s14], [sflag:$0xB], $0x1000, $0x38;
	[tilespmem:$0x1BC00] =	vst v63  }
0x1ae: {  	_ =	swait.ge [sflag:s8], $0x1000  }
0x1af: {  	[sflag:s8] =	ssyncset.done $0x0  }
0x1b0: {  	s13 =	simm.s32 $0x380;
	[sflag:s8] =	ssyncadd.s32 $0xFFFFF000  }
.LBB2_12:
0x1b1: {  	s8 =	simm.s32 $0x4C40  }
0x1b2: {  	v3 =	vld [tilespmem:s8+$0x30]  }
0x1b3: {  	v5 =	vld [tilespmem:s8+$0xFFFFFFD0]  }
0x1b4: {  	v7 =	vld [tilespmem:s8+$0xFFFFFFE0]  }
0x1b5: {  	v4 =	vld [tilespmem:s8+$0xFFFFFFF0]  }
0x1b6: {  	v2 =	vld [tilespmem:s8+$0x0]  }
0x1b7: {  	v1 =	vld [tilespmem:s8+$0x10];
	v8 =	vmul.f32 $3.333333430e-01, v3  }
0x1b8: {  	v3 =	vld [tilespmem:s8+$0x20];
	v6 =	vmul.f32 $3.333333430e-01, v5  }
0x1b9: {  	s9 =	simm.s32 $0x0;
	s13 =	simm.s32 $0x4CC0;
	v5 =	vld [tilespmem:s8+$0xFFFFFFC0];
	v7 =	vmul.f32 $3.333333430e-01, v7;
	[tilespmem:s8+$0x30] =	vst v8  }
.LBB2_13:
0x1ba: {  	v8 =	vld [tilespmem:s13+$0x30];
	s9 =	sadd.s32 $0x2, s9;
	[tilespmem:s8+$0xFFFFFFD0] =	vst v6;
	v4 =	vmul.f32 $3.333333430e-01, v4  }
0x1bb: {  	v6 =	vld [tilespmem:s13+$0xFFFFFFD0];
	p3 =	slt.u32 s9, $0x7E;
	[tilespmem:s8+$0xFFFFFFE0] =	vst v7;
	v2 =	vmul.f32 $3.333333430e-01, v2  }
0x1bc: {  	v7 =	vld [tilespmem:s13+$0xFFFFFFE0];
	[tilespmem:s8+$0xFFFFFFF0] =	vst v4;
	v1 =	vmul.f32 $3.333333430e-01, v1  }
.Ltmp18:
0x1bd: {  	v4 =	vld [tilespmem:s13+$0xFFFFFFF0];
	[tilespmem:s8+$0x0] =	vst v2;
	v3 =	vmul.f32 $3.333333430e-01, v3;
	(pc) =	sbr.rel @p3 .LBB2_13-.Ltmp18, $4  }
0x1be: {  	v2 =	vld [tilespmem:s13+$0x0];
	v5 =	vmul.f32 $3.333333430e-01, v5;
	[tilespmem:s8+$0x10] =	vst v1  }
0x1bf: {  	v1 =	vld [tilespmem:s13+$0x10];
	v8 =	vmul.f32 $3.333333430e-01, v8;
	[tilespmem:s8+$0x20] =	vst v3  }
0x1c0: {  	v6 =	vmul.f32 $3.333333430e-01, v6;
	v3 =	vld [tilespmem:s13+$0x20];
	[tilespmem:s8+$0xFFFFFFC0] =	vst v5;
	s8 =	smov.u32 s13  }
0x1c1: {  	s13 =	sadd.s32 $0x80, s13;
	v5 =	vld [tilespmem:s8+$0xFFFFFFC0];
	v7 =	vmul.f32 $3.333333430e-01, v7;
	[tilespmem:s8+$0x30] =	vst v8  }
0x1c2: {  	[tilespmem:s8+$0xFFFFFFD0] =	vst v6;
	v4 =	vmul.f32 $3.333333430e-01, v4  }
0x1c3: {  	[tilespmem:s8+$0xFFFFFFE0] =	vst v7;
	v2 =	vmul.f32 $3.333333430e-01, v2  }
0x1c4: {  	[tilespmem:s8+$0xFFFFFFF0] =	vst v4;
	v1 =	vmul.f32 $3.333333430e-01, v1  }
0x1c5: {  	[tilespmem:s8+$0x0] =	vst v2;
	v2 =	vmul.f32 $3.333333430e-01, v3  }
0x1c6: {  	v3 =	vmul.f32 $3.333333430e-01, v5;
	[tilespmem:s8+$0x10] =	vst v1  }
0x1c7: {  	s4 =	rddreg [dreg:$0x19];
	[tilespmem:s8+$0x20] =	vst v2  }
0x1c8: {  	s4 =	sadd.s32 s4, s6;
	[tilespmem:s8+$0xFFFFFFC0] =	vst v3  }
0x1c9: {  	s4 =	sshrl.u32 s4, $0x3;
	s9 =	rddreg [dreg:$0x15]  }
.Ltmp19:
0x1ca: {  	s13 =	simm.s32 $0xA;
	s4 =	sadd.s32 s9, s4;
	(pc) =	sbr.rel .LBB2_23-.Ltmp19, $4  }
0x1cb: {  	[hbm4b:s4+s5] =	stream.linear.scatter [tilespmem:s12], [sflag:$0xA], $0x2000, $0x38;
	[tilespmem:$0x1BC00] =	vst v63  }
0x1cc: {  	_ =	swait.ge [sflag:s13], $0x2000  }
0x1cd: {  	[sflag:s13] =	ssyncset.done $0x0  }
0x1ce: {  	s8 =	simm.s32 $0xB;
	[sflag:s13] =	ssyncadd.s32 $0xFFFFE000;
	s13 =	simm.s32 $0x380  }
.LBB2_26:
0x1cf: {  	_ =	sfence.sel $0x180000  }
0x1d0: {  	[bflag:$0x0] =	sbarrier.arrive $0xFFFF  }
0x1d1: {  	_ =	strace $0x90000047  }
0x1d2: {  	s0 =	stileid.u32;
	[bflag:$0x2] =	sbarrier.arrive $0xFFFF  }
0x1d3: {  	p0 =	sne.s32 s0, $0x0;
	s0 =	rddreg [dreg:$0x7]  }
0x1d4: {  	s0 =	sadd.s32 @!p0 $0x100000, s0  }
0x1d5: {  	[sflag:s0] =	ssyncadd.tile.s32 @!p0 $0x1;
	_ =	shalt  }
.Lfunc_end2:
_tile_overlayer_lowered:
.L_overlay_start_2:
0x1d6: {  	(tag) =	ssettag $0x2  }
0x1d7: {  	s0 =	rddreg [dreg:$0x0];
	s2 =	stileid.u32  }
0x1d8: {  	s1 =	rddreg [dreg:$0x1];
	p0 =	sne.s32 s2, $0x0  }
0x1d9: {  	s3 =	rddreg [dreg:$0x2];
	[bflag:$0x3] =	sbarrier.arrive $0xFFFF;
	s2 =	simm.s32 @!p0 $0x1C0A  }
0x1da: {  	[timem:s3], [sflag:s2] =	dma.local @!p0 [hbm:s0], s1  }
0x1db: {  	s0 =	simm.s32 @!p0 $0xA  }
0x1dc: {  	_ =	swait.ge @!p0 [sflag:s0], s1  }
0x1dd: {  	s1 =	ssub.s32 @!p0 $0x0, s1;
	[sflag:s0] =	ssyncset.done @!p0 $0x0  }
0x1de: {  	[sflag:s0] =	ssyncadd.s32 @!p0 s1  }
0x1df: {  	[bflag:$0x3] =	sbarrier.arrive $0xFFFF  }
0x1e0: {  	_ =	shalt  }

</sc_bundles>
